<compile_context>
chip_gen: v7x
topology: tpu7x:2x2x1
jax: 0.10.2.dev20260603
libtpu: 0.0.44.dev20260713+nightly
codegen_flags: <defaults>
</compile_context>

<pallas_src>
import functools

import jax
import jax.numpy as jnp
from jax import lax
from jax.experimental import pallas as pl
from jax.experimental.pallas import tpu as pltpu
from jax.experimental.pallas import tpu_sc as plsc

_NC = 2
_NS = 16
_NW = _NC * _NS
_L = 16
_B = 16384
_F = 64
_BPW = _B // _NW

_mesh = plsc.VectorSubcoreMesh(core_axis_name="c", subcore_axis_name="s")
_params = pltpu.CompilerParams(
    needs_layout_passes=False, use_tc_tiling_on_sc=False)


@functools.partial(
    pl.kernel,
    out_type=(jax.ShapeDtypeStruct((_B, _F), jnp.float32),
              jax.ShapeDtypeStruct((_B,), jnp.float32)),
    mesh=_mesh,
    compiler_params=_params,
    scratch_types=[
        pltpu.VMEM((_BPW,), jnp.int32),
        pltpu.VMEM((_BPW, _F), jnp.float32),
        pltpu.VMEM((_BPW,), jnp.float32),
        pltpu.SemaphoreType.DMA,
        pltpu.SemaphoreType.DMA,
    ],
)
def _gather_rows(ids_hbm, tab_hbm, bias_hbm, rows_hbm, bg_hbm,
                 idx_v, rows_v, bv_v, semr, semb):
    wid = lax.axis_index("s") * _NC + lax.axis_index("c")
    base = wid * _BPW
    pltpu.sync_copy(ids_hbm.at[pl.ds(base, _BPW)], idx_v)
    cpr = pltpu.async_copy(tab_hbm.at[idx_v], rows_v, semr)
    cpb = pltpu.async_copy(bias_hbm.at[idx_v], bv_v, semb)
    cpr.wait()
    cpb.wait()
    pltpu.sync_copy(rows_v, rows_hbm.at[pl.ds(base, _BPW), :])
    pltpu.sync_copy(bv_v, bg_hbm.at[pl.ds(base, _BPW)])


@functools.partial(
    pl.kernel,
    out_type=jax.ShapeDtypeStruct((_B,), jnp.float32),
    mesh=_mesh,
    compiler_params=_params,
    scratch_types=[
        pltpu.VMEM((_BPW, _F), jnp.float32),
        pltpu.VMEM((_BPW, _F), jnp.float32),
        pltpu.VMEM((_BPW,), jnp.float32),
        pltpu.VMEM((_BPW,), jnp.float32),
        pltpu.VMEM((_BPW,), jnp.float32),
        pltpu.SemaphoreType.DMA,
        pltpu.SemaphoreType.DMA,
    ],
)
def _combine(ue_hbm, ub_hbm, ie_hbm, ib_hbm, out_hbm,
             ue_v, ie_v, ub_v, ib_v, out_v, sem0, sem1):
    wid = lax.axis_index("s") * _NC + lax.axis_index("c")
    base = wid * _BPW
    cp0 = pltpu.async_copy(ue_hbm.at[pl.ds(base, _BPW), :], ue_v, sem0)
    cp1 = pltpu.async_copy(ie_hbm.at[pl.ds(base, _BPW), :], ie_v, sem1)
    pltpu.sync_copy(ub_hbm.at[pl.ds(base, _BPW)], ub_v)
    pltpu.sync_copy(ib_hbm.at[pl.ds(base, _BPW)], ib_v)
    cp0.wait()
    cp1.wait()

    lanes = lax.iota(jnp.int32, _L)

    def group(g, carry):
        res = jnp.zeros((_L,), jnp.float32)
        for j in range(_L):
            r = g * _L + j
            accs = []
            for q in range(4):
                sl = pl.ds(q * _L, _L)
                accs.append(ue_v[r, sl] * ie_v[r, sl])
            p = (accs[0] + accs[1]) + (accs[2] + accs[3])
            res = jnp.where(lanes == j, jnp.sum(p), res)
        sl = pl.ds(g * _L, _L)
        out_v[sl] = res + ub_v[sl] + ib_v[sl]
        return carry

    lax.fori_loop(0, _BPW // _L, group, 0)
    pltpu.sync_copy(out_v, out_hbm.at[pl.ds(base, _BPW)])


def kernel(users, items, user_embeddings, item_embeddings, user_biases,
           item_biases):
    ub = user_biases.reshape(-1)
    ib = item_biases.reshape(-1)
    ue_rows, ubg = _gather_rows(users, user_embeddings, ub)
    ie_rows, ibg = _gather_rows(items, item_embeddings, ib)
    out = _combine(ue_rows, ubg, ie_rows, ibg)
    return out.reshape(_B, 1)

# --- scband reference (transcript-rebuilt; emitter-appended) ---
"""Pipeline reference for scband-base-module-11922829214047 (READ-ONLY COPY).

The authoritative reference and input builder live on the scoring server;
editing this copy changes nothing except your own understanding.
"""

import jax, jax.numpy as jnp
import numpy as np

N_USERS = 1000000
N_ITEMS = 100000
N_FACTORS = 64
BATCH = 16384


def setup_inputs(seed: int = 0) -> dict:
    key = jax.random.key(seed)
    k1, k2, k3, k4, k5, k6 = jax.random.split(key, 6)
    users = jax.random.randint(k1, (BATCH,), 0, N_USERS, dtype=jnp.int64 if jax.config.jax_enable_x64 else jnp.int32).astype(jnp.int32)
    items = jax.random.randint(k2, (BATCH,), 0, N_ITEMS, dtype=jnp.int64 if jax.config.jax_enable_x64 else jnp.int32).astype(jnp.int32)
    user_embeddings = jax.random.normal(k3, (N_USERS, N_FACTORS), dtype=jnp.float32) * 0.1
    item_embeddings = jax.random.normal(k4, (N_ITEMS, N_FACTORS), dtype=jnp.float32) * 0.1
    user_biases = jax.random.normal(k5, (N_USERS, 1), dtype=jnp.float32) * 0.1
    item_biases = jax.random.normal(k6, (N_ITEMS, 1), dtype=jnp.float32) * 0.1
    return {
        "users": users,
        "items": items,
        "user_embeddings": user_embeddings,
        "item_embeddings": item_embeddings,
        "user_biases": user_biases,
        "item_biases": item_biases,
    }


def reference(users, items, user_embeddings, item_embeddings, user_biases, item_biases):
    # Faithful translation of BaseModule.forward (dropout_p=0 -> identity dropout):
    # preds = user_bias + item_bias + (user_emb * item_emb).sum(dim=1)
    ues = jnp.take(user_embeddings, users, axis=0)   # [B, F]
    uis = jnp.take(item_embeddings, items, axis=0)   # [B, F]
    preds = jnp.take(user_biases, users, axis=0)     # [B, 1]
    preds = preds + jnp.take(item_biases, items, axis=0)  # [B, 1]
    preds = preds + jnp.sum(ues * uis, axis=1, keepdims=True)  # [B, 1]
    return preds

if __name__ == "__main__":
    import jax
    _d = setup_inputs()
    print(jax.jit(kernel)(*tuple(_d.values())))

</pallas_src>

<mosaic_0001>
#map = affine_map<(d0, d1) -> (0)>
#map1 = affine_map<(d0, d1) -> (0, 0)>
module attributes {stable_mosaic.version = 14 : i64} {
  func.func @_gather_rows(%arg0: i32, %arg1: i32, %arg2: memref<16384xi32, #tpu.memory_space<hbm>>, %arg3: memref<1000000x64xf32, #tpu.memory_space<hbm>>, %arg4: memref<1000000xf32, #tpu.memory_space<hbm>>, %arg5: memref<16384x64xf32, #tpu.memory_space<hbm>>, %arg6: memref<16384xf32, #tpu.memory_space<hbm>>, %arg7: memref<512xi32, #tpu.memory_space<vmem>>, %arg8: memref<512x64xf32, #tpu.memory_space<vmem>>, %arg9: memref<512xf32, #tpu.memory_space<vmem>>, %arg10: memref<!tpu.dma_semaphore, #tpu.memory_space<semaphore_mem>>, %arg11: memref<!tpu.dma_semaphore, #tpu.memory_space<semaphore_mem>>) attributes {dimension_semantics = [#tpu.dimension_semantics<core_parallel>, #tpu.dimension_semantics<subcore_parallel>], iteration_bounds = array<i64: 2, 16>, scalar_prefetch = 0 : i64, scratch_operands = 5 : i64, tpu.core_type = #tpu.core_type<sc_vector_subcore>, window_params = [{transform_indices = #map}, {transform_indices = #map1}, {transform_indices = #map}, {transform_indices = #map1}, {transform_indices = #map}]} {
    %mul3A = arith.constant 2 : i32
    %mul3A_0 = arith.muli %arg1, %mul3A : i32
    %add3A = arith.addi %mul3A_0, %arg0 : i32
    %mul3A_1 = arith.constant 512 : i32
    %mul3A_2 = arith.muli %add3A, %mul3A_1 : i32
    "tpu.region"() ({
      %run_scoped3A = tpu.sem_alloc : memref<!tpu.dma_semaphore, #tpu.memory_space<semaphore_mem>>
      %dma_start3A_11 = tpu.memref_slice %arg2[%mul3A_2] : memref<16384xi32, #tpu.memory_space<hbm>> -> memref<512xi32, #tpu.memory_space<hbm>>
      %dma_start3A_12 = tpu.memref_slice %arg2[%mul3A_2] : memref<16384xi32, #tpu.memory_space<hbm>> -> memref<512xi32, #tpu.memory_space<hbm>>
      tpu.enqueue_dma source(%dma_start3A_12 : memref<512xi32, #tpu.memory_space<hbm>>) target(%arg7 : memref<512xi32, #tpu.memory_space<vmem>>) target_semaphore(%run_scoped3A : memref<!tpu.dma_semaphore, #tpu.memory_space<semaphore_mem>>)
      %dma_wait3A_13 = tpu.memref_slice %arg2[%mul3A_2] : memref<16384xi32, #tpu.memory_space<hbm>> -> memref<512xi32, #tpu.memory_space<hbm>>
      %dma_wait3A_14 = tpu.memref_slice %arg2[%mul3A_2] : memref<16384xi32, #tpu.memory_space<hbm>> -> memref<512xi32, #tpu.memory_space<hbm>>
      tpu.wait_dma2 semaphore(%run_scoped3A : memref<!tpu.dma_semaphore, #tpu.memory_space<semaphore_mem>>) src(%dma_wait3A_14 : memref<512xi32, #tpu.memory_space<hbm>>) dst(%arg7 : memref<512xi32, #tpu.memory_space<vmem>>)
      tpu.yield
    }) : () -> ()
    %dma_start3A = arith.constant 0 : i32
    %dma_start3A_3 = arith.constant 0 : i32
    %dma_start3A_4 = tpu.memref_slice %arg3[%dma_start3A, %dma_start3A_3] : memref<1000000x64xf32, #tpu.memory_space<hbm>> -> memref<1000000x64xf32, #tpu.memory_space<hbm>>
    tpu.enqueue_indirect_dma source(%dma_start3A_4 : memref<1000000x64xf32, #tpu.memory_space<hbm>>) target(%arg8 : memref<512x64xf32, #tpu.memory_space<vmem>>) offsets(%arg7 : memref<512xi32, #tpu.memory_space<vmem>>) semaphore(%arg10 : memref<!tpu.dma_semaphore, #tpu.memory_space<semaphore_mem>>)
    %dma_start3A_5 = arith.constant 0 : i32
    %dma_start3A_6 = tpu.memref_slice %arg4[%dma_start3A_5] : memref<1000000xf32, #tpu.memory_space<hbm>> -> memref<1000000xf32, #tpu.memory_space<hbm>>
    tpu.enqueue_indirect_dma source(%dma_start3A_6 : memref<1000000xf32, #tpu.memory_space<hbm>>) target(%arg9 : memref<512xf32, #tpu.memory_space<vmem>>) offsets(%arg7 : memref<512xi32, #tpu.memory_space<vmem>>) semaphore(%arg11 : memref<!tpu.dma_semaphore, #tpu.memory_space<semaphore_mem>>)
    %dma_wait3A = arith.constant 0 : i32
    %dma_wait3A_7 = arith.constant 0 : i32
    %dma_wait3A_8 = tpu.memref_slice %arg3[%dma_wait3A, %dma_wait3A_7] : memref<1000000x64xf32, #tpu.memory_space<hbm>> -> memref<1000000x64xf32, #tpu.memory_space<hbm>>
    tpu.wait_indirect_dma semaphore(%arg10 : memref<!tpu.dma_semaphore, #tpu.memory_space<semaphore_mem>>) src(%dma_wait3A_8 : memref<1000000x64xf32, #tpu.memory_space<hbm>>) dst(%arg8 : memref<512x64xf32, #tpu.memory_space<vmem>>)
    %dma_wait3A_9 = arith.constant 0 : i32
    %dma_wait3A_10 = tpu.memref_slice %arg4[%dma_wait3A_9] : memref<1000000xf32, #tpu.memory_space<hbm>> -> memref<1000000xf32, #tpu.memory_space<hbm>>
    tpu.wait_indirect_dma semaphore(%arg11 : memref<!tpu.dma_semaphore, #tpu.memory_space<semaphore_mem>>) src(%dma_wait3A_10 : memref<1000000xf32, #tpu.memory_space<hbm>>) dst(%arg9 : memref<512xf32, #tpu.memory_space<vmem>>)
    "tpu.region"() ({
      %run_scoped3A = tpu.sem_alloc : memref<!tpu.dma_semaphore, #tpu.memory_space<semaphore_mem>>
      %dma_start3A_11 = arith.constant 0 : i32
      %dma_start3A_12 = tpu.memref_slice %arg5[%mul3A_2, %dma_start3A_11] : memref<16384x64xf32, #tpu.memory_space<hbm>> -> memref<512x64xf32, #tpu.memory_space<hbm>>
      %dma_start3A_13 = arith.constant 0 : i32
      %dma_start3A_14 = tpu.memref_slice %arg5[%mul3A_2, %dma_start3A_13] : memref<16384x64xf32, #tpu.memory_space<hbm>> -> memref<512x64xf32, #tpu.memory_space<hbm>>
      tpu.enqueue_dma source(%arg8 : memref<512x64xf32, #tpu.memory_space<vmem>>) target(%dma_start3A_14 : memref<512x64xf32, #tpu.memory_space<hbm>>) target_semaphore(%run_scoped3A : memref<!tpu.dma_semaphore, #tpu.memory_space<semaphore_mem>>)
      %dma_wait3A_15 = arith.constant 0 : i32
      %dma_wait3A_16 = tpu.memref_slice %arg5[%mul3A_2, %dma_wait3A_15] : memref<16384x64xf32, #tpu.memory_space<hbm>> -> memref<512x64xf32, #tpu.memory_space<hbm>>
      %dma_wait3A_17 = arith.constant 0 : i32
      %dma_wait3A_18 = tpu.memref_slice %arg5[%mul3A_2, %dma_wait3A_17] : memref<16384x64xf32, #tpu.memory_space<hbm>> -> memref<512x64xf32, #tpu.memory_space<hbm>>
      tpu.wait_dma2 semaphore(%run_scoped3A : memref<!tpu.dma_semaphore, #tpu.memory_space<semaphore_mem>>) src(%arg8 : memref<512x64xf32, #tpu.memory_space<vmem>>) dst(%dma_wait3A_18 : memref<512x64xf32, #tpu.memory_space<hbm>>)
      tpu.yield
    }) : () -> ()
    "tpu.region"() ({
      %run_scoped3A = tpu.sem_alloc : memref<!tpu.dma_semaphore, #tpu.memory_space<semaphore_mem>>
      %dma_start3A_11 = tpu.memref_slice %arg6[%mul3A_2] : memref<16384xf32, #tpu.memory_space<hbm>> -> memref<512xf32, #tpu.memory_space<hbm>>
      %dma_start3A_12 = tpu.memref_slice %arg6[%mul3A_2] : memref<16384xf32, #tpu.memory_space<hbm>> -> memref<512xf32, #tpu.memory_space<hbm>>
      tpu.enqueue_dma source(%arg9 : memref<512xf32, #tpu.memory_space<vmem>>) target(%dma_start3A_12 : memref<512xf32, #tpu.memory_space<hbm>>) target_semaphore(%run_scoped3A : memref<!tpu.dma_semaphore, #tpu.memory_space<semaphore_mem>>)
      %dma_wait3A_13 = tpu.memref_slice %arg6[%mul3A_2] : memref<16384xf32, #tpu.memory_space<hbm>> -> memref<512xf32, #tpu.memory_space<hbm>>
      %dma_wait3A_14 = tpu.memref_slice %arg6[%mul3A_2] : memref<16384xf32, #tpu.memory_space<hbm>> -> memref<512xf32, #tpu.memory_space<hbm>>
      tpu.wait_dma2 semaphore(%run_scoped3A : memref<!tpu.dma_semaphore, #tpu.memory_space<semaphore_mem>>) src(%arg9 : memref<512xf32, #tpu.memory_space<vmem>>) dst(%dma_wait3A_14 : memref<512xf32, #tpu.memory_space<hbm>>)
      tpu.yield
    }) : () -> ()
    return
  }
}

#map = affine_map<(d0, d1) -> (0)>
#map1 = affine_map<(d0, d1) -> (0, 0)>
module attributes {stable_mosaic.version = 14 : i64} {
  func.func @_gather_rows(%arg0: i32, %arg1: i32, %arg2: memref<16384xi32, #tpu.memory_space<hbm>>, %arg3: memref<100000x64xf32, #tpu.memory_space<hbm>>, %arg4: memref<100000xf32, #tpu.memory_space<hbm>>, %arg5: memref<16384x64xf32, #tpu.memory_space<hbm>>, %arg6: memref<16384xf32, #tpu.memory_space<hbm>>, %arg7: memref<512xi32, #tpu.memory_space<vmem>>, %arg8: memref<512x64xf32, #tpu.memory_space<vmem>>, %arg9: memref<512xf32, #tpu.memory_space<vmem>>, %arg10: memref<!tpu.dma_semaphore, #tpu.memory_space<semaphore_mem>>, %arg11: memref<!tpu.dma_semaphore, #tpu.memory_space<semaphore_mem>>) attributes {dimension_semantics = [#tpu.dimension_semantics<core_parallel>, #tpu.dimension_semantics<subcore_parallel>], iteration_bounds = array<i64: 2, 16>, scalar_prefetch = 0 : i64, scratch_operands = 5 : i64, tpu.core_type = #tpu.core_type<sc_vector_subcore>, window_params = [{transform_indices = #map}, {transform_indices = #map1}, {transform_indices = #map}, {transform_indices = #map1}, {transform_indices = #map}]} {
    %mul3A = arith.constant 2 : i32
    %mul3A_0 = arith.muli %arg1, %mul3A : i32
    %add3A = arith.addi %mul3A_0, %arg0 : i32
    %mul3A_1 = arith.constant 512 : i32
    %mul3A_2 = arith.muli %add3A, %mul3A_1 : i32
    "tpu.region"() ({
      %run_scoped3A = tpu.sem_alloc : memref<!tpu.dma_semaphore, #tpu.memory_space<semaphore_mem>>
      %dma_start3A_11 = tpu.memref_slice %arg2[%mul3A_2] : memref<16384xi32, #tpu.memory_space<hbm>> -> memref<512xi32, #tpu.memory_space<hbm>>
      %dma_start3A_12 = tpu.memref_slice %arg2[%mul3A_2] : memref<16384xi32, #tpu.memory_space<hbm>> -> memref<512xi32, #tpu.memory_space<hbm>>
      tpu.enqueue_dma source(%dma_start3A_12 : memref<512xi32, #tpu.memory_space<hbm>>) target(%arg7 : memref<512xi32, #tpu.memory_space<vmem>>) target_semaphore(%run_scoped3A : memref<!tpu.dma_semaphore, #tpu.memory_space<semaphore_mem>>)
      %dma_wait3A_13 = tpu.memref_slice %arg2[%mul3A_2] : memref<16384xi32, #tpu.memory_space<hbm>> -> memref<512xi32, #tpu.memory_space<hbm>>
      %dma_wait3A_14 = tpu.memref_slice %arg2[%mul3A_2] : memref<16384xi32, #tpu.memory_space<hbm>> -> memref<512xi32, #tpu.memory_space<hbm>>
      tpu.wait_dma2 semaphore(%run_scoped3A : memref<!tpu.dma_semaphore, #tpu.memory_space<semaphore_mem>>) src(%dma_wait3A_14 : memref<512xi32, #tpu.memory_space<hbm>>) dst(%arg7 : memref<512xi32, #tpu.memory_space<vmem>>)
      tpu.yield
    }) : () -> ()
    %dma_start3A = arith.constant 0 : i32
    %dma_start3A_3 = arith.constant 0 : i32
    %dma_start3A_4 = tpu.memref_slice %arg3[%dma_start3A, %dma_start3A_3] : memref<100000x64xf32, #tpu.memory_space<hbm>> -> memref<100000x64xf32, #tpu.memory_space<hbm>>
    tpu.enqueue_indirect_dma source(%dma_start3A_4 : memref<100000x64xf32, #tpu.memory_space<hbm>>) target(%arg8 : memref<512x64xf32, #tpu.memory_space<vmem>>) offsets(%arg7 : memref<512xi32, #tpu.memory_space<vmem>>) semaphore(%arg10 : memref<!tpu.dma_semaphore, #tpu.memory_space<semaphore_mem>>)
    %dma_start3A_5 = arith.constant 0 : i32
    %dma_start3A_6 = tpu.memref_slice %arg4[%dma_start3A_5] : memref<100000xf32, #tpu.memory_space<hbm>> -> memref<100000xf32, #tpu.memory_space<hbm>>
    tpu.enqueue_indirect_dma source(%dma_start3A_6 : memref<100000xf32, #tpu.memory_space<hbm>>) target(%arg9 : memref<512xf32, #tpu.memory_space<vmem>>) offsets(%arg7 : memref<512xi32, #tpu.memory_space<vmem>>) semaphore(%arg11 : memref<!tpu.dma_semaphore, #tpu.memory_space<semaphore_mem>>)
    %dma_wait3A = arith.constant 0 : i32
    %dma_wait3A_7 = arith.constant 0 : i32
    %dma_wait3A_8 = tpu.memref_slice %arg3[%dma_wait3A, %dma_wait3A_7] : memref<100000x64xf32, #tpu.memory_space<hbm>> -> memref<100000x64xf32, #tpu.memory_space<hbm>>
    tpu.wait_indirect_dma semaphore(%arg10 : memref<!tpu.dma_semaphore, #tpu.memory_space<semaphore_mem>>) src(%dma_wait3A_8 : memref<100000x64xf32, #tpu.memory_space<hbm>>) dst(%arg8 : memref<512x64xf32, #tpu.memory_space<vmem>>)
    %dma_wait3A_9 = arith.constant 0 : i32
    %dma_wait3A_10 = tpu.memref_slice %arg4[%dma_wait3A_9] : memref<100000xf32, #tpu.memory_space<hbm>> -> memref<100000xf32, #tpu.memory_space<hbm>>
    tpu.wait_indirect_dma semaphore(%arg11 : memref<!tpu.dma_semaphore, #tpu.memory_space<semaphore_mem>>) src(%dma_wait3A_10 : memref<100000xf32, #tpu.memory_space<hbm>>) dst(%arg9 : memref<512xf32, #tpu.memory_space<vmem>>)
    "tpu.region"() ({
      %run_scoped3A = tpu.sem_alloc : memref<!tpu.dma_semaphore, #tpu.memory_space<semaphore_mem>>
      %dma_start3A_11 = arith.constant 0 : i32
      %dma_start3A_12 = tpu.memref_slice %arg5[%mul3A_2, %dma_start3A_11] : memref<16384x64xf32, #tpu.memory_space<hbm>> -> memref<512x64xf32, #tpu.memory_space<hbm>>
      %dma_start3A_13 = arith.constant 0 : i32
      %dma_start3A_14 = tpu.memref_slice %arg5[%mul3A_2, %dma_start3A_13] : memref<16384x64xf32, #tpu.memory_space<hbm>> -> memref<512x64xf32, #tpu.memory_space<hbm>>
      tpu.enqueue_dma source(%arg8 : memref<512x64xf32, #tpu.memory_space<vmem>>) target(%dma_start3A_14 : memref<512x64xf32, #tpu.memory_space<hbm>>) target_semaphore(%run_scoped3A : memref<!tpu.dma_semaphore, #tpu.memory_space<semaphore_mem>>)
      %dma_wait3A_15 = arith.constant 0 : i32
      %dma_wait3A_16 = tpu.memref_slice %arg5[%mul3A_2, %dma_wait3A_15] : memref<16384x64xf32, #tpu.memory_space<hbm>> -> memref<512x64xf32, #tpu.memory_space<hbm>>
      %dma_wait3A_17 = arith.constant 0 : i32
      %dma_wait3A_18 = tpu.memref_slice %arg5[%mul3A_2, %dma_wait3A_17] : memref<16384x64xf32, #tpu.memory_space<hbm>> -> memref<512x64xf32, #tpu.memory_space<hbm>>
      tpu.wait_dma2 semaphore(%run_scoped3A : memref<!tpu.dma_semaphore, #tpu.memory_space<semaphore_mem>>) src(%arg8 : memref<512x64xf32, #tpu.memory_space<vmem>>) dst(%dma_wait3A_18 : memref<512x64xf32, #tpu.memory_space<hbm>>)
      tpu.yield
    }) : () -> ()
    "tpu.region"() ({
      %run_scoped3A = tpu.sem_alloc : memref<!tpu.dma_semaphore, #tpu.memory_space<semaphore_mem>>
      %dma_start3A_11 = tpu.memref_slice %arg6[%mul3A_2] : memref<16384xf32, #tpu.memory_space<hbm>> -> memref<512xf32, #tpu.memory_space<hbm>>
      %dma_start3A_12 = tpu.memref_slice %arg6[%mul3A_2] : memref<16384xf32, #tpu.memory_space<hbm>> -> memref<512xf32, #tpu.memory_space<hbm>>
      tpu.enqueue_dma source(%arg9 : memref<512xf32, #tpu.memory_space<vmem>>) target(%dma_start3A_12 : memref<512xf32, #tpu.memory_space<hbm>>) target_semaphore(%run_scoped3A : memref<!tpu.dma_semaphore, #tpu.memory_space<semaphore_mem>>)
      %dma_wait3A_13 = tpu.memref_slice %arg6[%mul3A_2] : memref<16384xf32, #tpu.memory_space<hbm>> -> memref<512xf32, #tpu.memory_space<hbm>>
      %dma_wait3A_14 = tpu.memref_slice %arg6[%mul3A_2] : memref<16384xf32, #tpu.memory_space<hbm>> -> memref<512xf32, #tpu.memory_space<hbm>>
      tpu.wait_dma2 semaphore(%run_scoped3A : memref<!tpu.dma_semaphore, #tpu.memory_space<semaphore_mem>>) src(%arg9 : memref<512xf32, #tpu.memory_space<vmem>>) dst(%dma_wait3A_14 : memref<512xf32, #tpu.memory_space<hbm>>)
      tpu.yield
    }) : () -> ()
    return
  }
}

#map = affine_map<(d0, d1) -> (0, 0)>
#map1 = affine_map<(d0, d1) -> (0)>
module attributes {stable_mosaic.version = 14 : i64} {
  func.func @_combine(%arg0: i32, %arg1: i32, %arg2: memref<16384x64xf32, #tpu.memory_space<hbm>>, %arg3: memref<16384xf32, #tpu.memory_space<hbm>>, %arg4: memref<16384x64xf32, #tpu.memory_space<hbm>>, %arg5: memref<16384xf32, #tpu.memory_space<hbm>>, %arg6: memref<16384xf32, #tpu.memory_space<hbm>>, %arg7: memref<512x64xf32, #tpu.memory_space<vmem>>, %arg8: memref<512x64xf32, #tpu.memory_space<vmem>>, %arg9: memref<512xf32, #tpu.memory_space<vmem>>, %arg10: memref<512xf32, #tpu.memory_space<vmem>>, %arg11: memref<512xf32, #tpu.memory_space<vmem>>, %arg12: memref<!tpu.dma_semaphore, #tpu.memory_space<semaphore_mem>>, %arg13: memref<!tpu.dma_semaphore, #tpu.memory_space<semaphore_mem>>) attributes {dimension_semantics = [#tpu.dimension_semantics<core_parallel>, #tpu.dimension_semantics<subcore_parallel>], iteration_bounds = array<i64: 2, 16>, scalar_prefetch = 0 : i64, scratch_operands = 7 : i64, tpu.core_type = #tpu.core_type<sc_vector_subcore>, window_params = [{transform_indices = #map}, {transform_indices = #map1}, {transform_indices = #map}, {transform_indices = #map1}, {transform_indices = #map1}]} {
    %mul3A = arith.constant 2 : i32
    %mul3A_0 = arith.muli %arg1, %mul3A : i32
    %add3A = arith.addi %mul3A_0, %arg0 : i32
    %mul3A_1 = arith.constant 512 : i32
    %mul3A_2 = arith.muli %add3A, %mul3A_1 : i32
    %dma_start3A = arith.constant 0 : i32
    %dma_start3A_3 = tpu.memref_slice %arg2[%mul3A_2, %dma_start3A] : memref<16384x64xf32, #tpu.memory_space<hbm>> -> memref<512x64xf32, #tpu.memory_space<hbm>>
    %dma_start3A_4 = arith.constant 0 : i32
    %dma_start3A_5 = tpu.memref_slice %arg2[%mul3A_2, %dma_start3A_4] : memref<16384x64xf32, #tpu.memory_space<hbm>> -> memref<512x64xf32, #tpu.memory_space<hbm>>
    tpu.enqueue_dma source(%dma_start3A_5 : memref<512x64xf32, #tpu.memory_space<hbm>>) target(%arg7 : memref<512x64xf32, #tpu.memory_space<vmem>>) target_semaphore(%arg12 : memref<!tpu.dma_semaphore, #tpu.memory_space<semaphore_mem>>)
    %dma_start3A_6 = arith.constant 0 : i32
    %dma_start3A_7 = tpu.memref_slice %arg4[%mul3A_2, %dma_start3A_6] : memref<16384x64xf32, #tpu.memory_space<hbm>> -> memref<512x64xf32, #tpu.memory_space<hbm>>
    %dma_start3A_8 = arith.constant 0 : i32
    %dma_start3A_9 = tpu.memref_slice %arg4[%mul3A_2, %dma_start3A_8] : memref<16384x64xf32, #tpu.memory_space<hbm>> -> memref<512x64xf32, #tpu.memory_space<hbm>>
    tpu.enqueue_dma source(%dma_start3A_9 : memref<512x64xf32, #tpu.memory_space<hbm>>) target(%arg8 : memref<512x64xf32, #tpu.memory_space<vmem>>) target_semaphore(%arg13 : memref<!tpu.dma_semaphore, #tpu.memory_space<semaphore_mem>>)
    "tpu.region"() ({
      %run_scoped3A = tpu.sem_alloc : memref<!tpu.dma_semaphore, #tpu.memory_space<semaphore_mem>>
      %dma_start3A_22 = tpu.memref_slice %arg3[%mul3A_2] : memref<16384xf32, #tpu.memory_space<hbm>> -> memref<512xf32, #tpu.memory_space<hbm>>
      %dma_start3A_23 = tpu.memref_slice %arg3[%mul3A_2] : memref<16384xf32, #tpu.memory_space<hbm>> -> memref<512xf32, #tpu.memory_space<hbm>>
      tpu.enqueue_dma source(%dma_start3A_23 : memref<512xf32, #tpu.memory_space<hbm>>) target(%arg9 : memref<512xf32, #tpu.memory_space<vmem>>) target_semaphore(%run_scoped3A : memref<!tpu.dma_semaphore, #tpu.memory_space<semaphore_mem>>)
      %dma_wait3A_24 = tpu.memref_slice %arg3[%mul3A_2] : memref<16384xf32, #tpu.memory_space<hbm>> -> memref<512xf32, #tpu.memory_space<hbm>>
      %dma_wait3A_25 = tpu.memref_slice %arg3[%mul3A_2] : memref<16384xf32, #tpu.memory_space<hbm>> -> memref<512xf32, #tpu.memory_space<hbm>>
      tpu.wait_dma2 semaphore(%run_scoped3A : memref<!tpu.dma_semaphore, #tpu.memory_space<semaphore_mem>>) src(%dma_wait3A_25 : memref<512xf32, #tpu.memory_space<hbm>>) dst(%arg9 : memref<512xf32, #tpu.memory_space<vmem>>)
      tpu.yield
    }) : () -> ()
    "tpu.region"() ({
      %run_scoped3A = tpu.sem_alloc : memref<!tpu.dma_semaphore, #tpu.memory_space<semaphore_mem>>
      %dma_start3A_22 = tpu.memref_slice %arg5[%mul3A_2] : memref<16384xf32, #tpu.memory_space<hbm>> -> memref<512xf32, #tpu.memory_space<hbm>>
      %dma_start3A_23 = tpu.memref_slice %arg5[%mul3A_2] : memref<16384xf32, #tpu.memory_space<hbm>> -> memref<512xf32, #tpu.memory_space<hbm>>
      tpu.enqueue_dma source(%dma_start3A_23 : memref<512xf32, #tpu.memory_space<hbm>>) target(%arg10 : memref<512xf32, #tpu.memory_space<vmem>>) target_semaphore(%run_scoped3A : memref<!tpu.dma_semaphore, #tpu.memory_space<semaphore_mem>>)
      %dma_wait3A_24 = tpu.memref_slice %arg5[%mul3A_2] : memref<16384xf32, #tpu.memory_space<hbm>> -> memref<512xf32, #tpu.memory_space<hbm>>
      %dma_wait3A_25 = tpu.memref_slice %arg5[%mul3A_2] : memref<16384xf32, #tpu.memory_space<hbm>> -> memref<512xf32, #tpu.memory_space<hbm>>
      tpu.wait_dma2 semaphore(%run_scoped3A : memref<!tpu.dma_semaphore, #tpu.memory_space<semaphore_mem>>) src(%dma_wait3A_25 : memref<512xf32, #tpu.memory_space<hbm>>) dst(%arg10 : memref<512xf32, #tpu.memory_space<vmem>>)
      tpu.yield
    }) : () -> ()
    %dma_wait3A = arith.constant 0 : i32
    %dma_wait3A_10 = tpu.memref_slice %arg2[%mul3A_2, %dma_wait3A] : memref<16384x64xf32, #tpu.memory_space<hbm>> -> memref<512x64xf32, #tpu.memory_space<hbm>>
    %dma_wait3A_11 = arith.constant 0 : i32
    %dma_wait3A_12 = tpu.memref_slice %arg2[%mul3A_2, %dma_wait3A_11] : memref<16384x64xf32, #tpu.memory_space<hbm>> -> memref<512x64xf32, #tpu.memory_space<hbm>>
    tpu.wait_dma2 semaphore(%arg12 : memref<!tpu.dma_semaphore, #tpu.memory_space<semaphore_mem>>) src(%dma_wait3A_12 : memref<512x64xf32, #tpu.memory_space<hbm>>) dst(%arg7 : memref<512x64xf32, #tpu.memory_space<vmem>>)
    %dma_wait3A_13 = arith.constant 0 : i32
    %dma_wait3A_14 = tpu.memref_slice %arg4[%mul3A_2, %dma_wait3A_13] : memref<16384x64xf32, #tpu.memory_space<hbm>> -> memref<512x64xf32, #tpu.memory_space<hbm>>
    %dma_wait3A_15 = arith.constant 0 : i32
    %dma_wait3A_16 = tpu.memref_slice %arg4[%mul3A_2, %dma_wait3A_15] : memref<16384x64xf32, #tpu.memory_space<hbm>> -> memref<512x64xf32, #tpu.memory_space<hbm>>
    tpu.wait_dma2 semaphore(%arg13 : memref<!tpu.dma_semaphore, #tpu.memory_space<semaphore_mem>>) src(%dma_wait3A_16 : memref<512x64xf32, #tpu.memory_space<hbm>>) dst(%arg8 : memref<512x64xf32, #tpu.memory_space<vmem>>)
    %iota3A = tpu.iota {dimensions = array<i32: 0>} : vector<16xi32>
    %scan3A = arith.constant 0 : i32
    %scan3A_17 = arith.constant 0 : i32
    %scan3A_18 = arith.constant 32 : i32
    %scan3A_19 = arith.addi %scan3A_17, %scan3A_18 : i32
    %scan3A_20 = arith.constant 1 : i32
    scf.for %scan3A_22 = %scan3A_17 to %scan3A_19 step %scan3A_20  : i32 {
      %broadcast_in_dim3A = arith.constant 0.000000e+00 : f32
      %broadcast_in_dim3A_23 = vector.broadcast %broadcast_in_dim3A : f32 to vector<16xf32>
      %mul3A_24 = arith.constant 16 : i32
      %mul3A_25 = arith.muli %scan3A_22, %mul3A_24 : i32
      %add3A_26 = arith.constant 0 : i32
      %add3A_27 = arith.addi %mul3A_25, %add3A_26 : i32
      %get3A = arith.index_cast %add3A_27 : i32 to index
      %get3A_28 = arith.constant 0 : index
      %get3A_29 = tpu.vector_load %arg7[%get3A, %get3A_28] {strides = array<i32>} : memref<512x64xf32, #tpu.memory_space<vmem>>, vector<16xf32>,
      %get3A_30 = arith.index_cast %add3A_27 : i32 to index
      %get3A_31 = arith.constant 0 : index
      %get3A_32 = tpu.vector_load %arg8[%get3A_30, %get3A_31] {strides = array<i32>} : memref<512x64xf32, #tpu.memory_space<vmem>>, vector<16xf32>,
      %mul3A_33 = arith.mulf %get3A_29, %get3A_32 : vector<16xf32>
      %get3A_34 = arith.index_cast %add3A_27 : i32 to index
      %get3A_35 = arith.constant 16 : index
      %get3A_36 = tpu.vector_load %arg7[%get3A_34, %get3A_35] {strides = array<i32>} : memref<512x64xf32, #tpu.memory_space<vmem>>, vector<16xf32>,
      %get3A_37 = arith.index_cast %add3A_27 : i32 to index
      %get3A_38 = arith.constant 16 : index
      %get3A_39 = tpu.vector_load %arg8[%get3A_37, %get3A_38] {strides = array<i32>} : memref<512x64xf32, #tpu.memory_space<vmem>>, vector<16xf32>,
      %mul3A_40 = arith.mulf %get3A_36, %get3A_39 : vector<16xf32>
      %get3A_41 = arith.index_cast %add3A_27 : i32 to index
      %get3A_42 = arith.constant 32 : index
      %get3A_43 = tpu.vector_load %arg7[%get3A_41, %get3A_42] {strides = array<i32>} : memref<512x64xf32, #tpu.memory_space<vmem>>, vector<16xf32>,
      %get3A_44 = arith.index_cast %add3A_27 : i32 to index
      %get3A_45 = arith.constant 32 : index
      %get3A_46 = tpu.vector_load %arg8[%get3A_44, %get3A_45] {strides = array<i32>} : memref<512x64xf32, #tpu.memory_space<vmem>>, vector<16xf32>,
      %mul3A_47 = arith.mulf %get3A_43, %get3A_46 : vector<16xf32>
      %get3A_48 = arith.index_cast %add3A_27 : i32 to index
      %get3A_49 = arith.constant 48 : index
      %get3A_50 = tpu.vector_load %arg7[%get3A_48, %get3A_49] {strides = array<i32>} : memref<512x64xf32, #tpu.memory_space<vmem>>, vector<16xf32>,
      %get3A_51 = arith.index_cast %add3A_27 : i32 to index
      %get3A_52 = arith.constant 48 : index
      %get3A_53 = tpu.vector_load %arg8[%get3A_51, %get3A_52] {strides = array<i32>} : memref<512x64xf32, #tpu.memory_space<vmem>>, vector<16xf32>,
      %mul3A_54 = arith.mulf %get3A_50, %get3A_53 : vector<16xf32>
      %add3A_55 = arith.addf %mul3A_33, %mul3A_40 : vector<16xf32>
      %add3A_56 = arith.addf %mul3A_47, %mul3A_54 : vector<16xf32>
      %add3A_57 = arith.addf %add3A_55, %add3A_56 : vector<16xf32>
      %eq3A = arith.constant 0 : i32
      %eq3A_58 = vector.broadcast %eq3A : i32 to vector<16xi32>
      %eq3A_59 = arith.cmpi eq, %iota3A, %eq3A_58 : vector<16xi32>
      %reduce_sum3A = arith.constant true
      %reduce_sum3A_60 = vector.broadcast %reduce_sum3A : i1 to vector<16xi1>
      %reduce_sum3A_61 = tpu.scan <sum>, %add3A_57 masked %reduce_sum3A_60 : vector<16xf32>, vector<16xi1> -> vector<16xf32>
      %reduce_sum3A_62 = vector.extract %reduce_sum3A_61[15] : f32 from vector<16xf32>
      %broadcast_in_dim3A_63 = vector.broadcast %reduce_sum3A_62 : f32 to vector<16xf32>
      %select_n3A = arith.select %eq3A_59, %broadcast_in_dim3A_63, %broadcast_in_dim3A_23 : vector<16xi1>, vector<16xf32>
      %mul3A_64 = arith.constant 16 : i32
      %mul3A_65 = arith.muli %scan3A_22, %mul3A_64 : i32
      %add3A_66 = arith.constant 1 : i32
      %add3A_67 = arith.addi %mul3A_65, %add3A_66 : i32
      %get3A_68 = arith.index_cast %add3A_67 : i32 to index
      %get3A_69 = arith.constant 0 : index
      %get3A_70 = tpu.vector_load %arg7[%get3A_68, %get3A_69] {strides = array<i32>} : memref<512x64xf32, #tpu.memory_space<vmem>>, vector<16xf32>,
      %get3A_71 = arith.index_cast %add3A_67 : i32 to index
      %get3A_72 = arith.constant 0 : index
      %get3A_73 = tpu.vector_load %arg8[%get3A_71, %get3A_72] {strides = array<i32>} : memref<512x64xf32, #tpu.memory_space<vmem>>, vector<16xf32>,
      %mul3A_74 = arith.mulf %get3A_70, %get3A_73 : vector<16xf32>
      %get3A_75 = arith.index_cast %add3A_67 : i32 to index
      %get3A_76 = arith.constant 16 : index
      %get3A_77 = tpu.vector_load %arg7[%get3A_75, %get3A_76] {strides = array<i32>} : memref<512x64xf32, #tpu.memory_space<vmem>>, vector<16xf32>,
      %get3A_78 = arith.index_cast %add3A_67 : i32 to index
      %get3A_79 = arith.constant 16 : index
      %get3A_80 = tpu.vector_load %arg8[%get3A_78, %get3A_79] {strides = array<i32>} : memref<512x64xf32, #tpu.memory_space<vmem>>, vector<16xf32>,
      %mul3A_81 = arith.mulf %get3A_77, %get3A_80 : vector<16xf32>
      %get3A_82 = arith.index_cast %add3A_67 : i32 to index
      %get3A_83 = arith.constant 32 : index
      %get3A_84 = tpu.vector_load %arg7[%get3A_82, %get3A_83] {strides = array<i32>} : memref<512x64xf32, #tpu.memory_space<vmem>>, vector<16xf32>,
      %get3A_85 = arith.index_cast %add3A_67 : i32 to index
      %get3A_86 = arith.constant 32 : index
      %get3A_87 = tpu.vector_load %arg8[%get3A_85, %get3A_86] {strides = array<i32>} : memref<512x64xf32, #tpu.memory_space<vmem>>, vector<16xf32>,
      %mul3A_88 = arith.mulf %get3A_84, %get3A_87 : vector<16xf32>
      %get3A_89 = arith.index_cast %add3A_67 : i32 to index
      %get3A_90 = arith.constant 48 : index
      %get3A_91 = tpu.vector_load %arg7[%get3A_89, %get3A_90] {strides = array<i32>} : memref<512x64xf32, #tpu.memory_space<vmem>>, vector<16xf32>,
      %get3A_92 = arith.index_cast %add3A_67 : i32 to index
      %get3A_93 = arith.constant 48 : index
      %get3A_94 = tpu.vector_load %arg8[%get3A_92, %get3A_93] {strides = array<i32>} : memref<512x64xf32, #tpu.memory_space<vmem>>, vector<16xf32>,
      %mul3A_95 = arith.mulf %get3A_91, %get3A_94 : vector<16xf32>
      %add3A_96 = arith.addf %mul3A_74, %mul3A_81 : vector<16xf32>
      %add3A_97 = arith.addf %mul3A_88, %mul3A_95 : vector<16xf32>
      %add3A_98 = arith.addf %add3A_96, %add3A_97 : vector<16xf32>
      %eq3A_99 = arith.constant 1 : i32
      %eq3A_100 = vector.broadcast %eq3A_99 : i32 to vector<16xi32>
      %eq3A_101 = arith.cmpi eq, %iota3A, %eq3A_100 : vector<16xi32>
      %reduce_sum3A_102 = arith.constant true
      %reduce_sum3A_103 = vector.broadcast %reduce_sum3A_102 : i1 to vector<16xi1>
      %reduce_sum3A_104 = tpu.scan <sum>, %add3A_98 masked %reduce_sum3A_103 : vector<16xf32>, vector<16xi1> -> vector<16xf32>
      %reduce_sum3A_105 = vector.extract %reduce_sum3A_104[15] : f32 from vector<16xf32>
      %broadcast_in_dim3A_106 = vector.broadcast %reduce_sum3A_105 : f32 to vector<16xf32>
      %select_n3A_107 = arith.select %eq3A_101, %broadcast_in_dim3A_106, %select_n3A : vector<16xi1>, vector<16xf32>
      %mul3A_108 = arith.constant 16 : i32
      %mul3A_109 = arith.muli %scan3A_22, %mul3A_108 : i32
      %add3A_110 = arith.constant 2 : i32
      %add3A_111 = arith.addi %mul3A_109, %add3A_110 : i32
      %get3A_112 = arith.index_cast %add3A_111 : i32 to index
      %get3A_113 = arith.constant 0 : index
      %get3A_114 = tpu.vector_load %arg7[%get3A_112, %get3A_113] {strides = array<i32>} : memref<512x64xf32, #tpu.memory_space<vmem>>, vector<16xf32>,
      %get3A_115 = arith.index_cast %add3A_111 : i32 to index
      %get3A_116 = arith.constant 0 : index
      %get3A_117 = tpu.vector_load %arg8[%get3A_115, %get3A_116] {strides = array<i32>} : memref<512x64xf32, #tpu.memory_space<vmem>>, vector<16xf32>,
      %mul3A_118 = arith.mulf %get3A_114, %get3A_117 : vector<16xf32>
      %get3A_119 = arith.index_cast %add3A_111 : i32 to index
      %get3A_120 = arith.constant 16 : index
      %get3A_121 = tpu.vector_load %arg7[%get3A_119, %get3A_120] {strides = array<i32>} : memref<512x64xf32, #tpu.memory_space<vmem>>, vector<16xf32>,
      %get3A_122 = arith.index_cast %add3A_111 : i32 to index
      %get3A_123 = arith.constant 16 : index
      %get3A_124 = tpu.vector_load %arg8[%get3A_122, %get3A_123] {strides = array<i32>} : memref<512x64xf32, #tpu.memory_space<vmem>>, vector<16xf32>,
      %mul3A_125 = arith.mulf %get3A_121, %get3A_124 : vector<16xf32>
      %get3A_126 = arith.index_cast %add3A_111 : i32 to index
      %get3A_127 = arith.constant 32 : index
      %get3A_128 = tpu.vector_load %arg7[%get3A_126, %get3A_127] {strides = array<i32>} : memref<512x64xf32, #tpu.memory_space<vmem>>, vector<16xf32>,
      %get3A_129 = arith.index_cast %add3A_111 : i32 to index
      %get3A_130 = arith.constant 32 : index
      %get3A_131 = tpu.vector_load %arg8[%get3A_129, %get3A_130] {strides = array<i32>} : memref<512x64xf32, #tpu.memory_space<vmem>>, vector<16xf32>,
      %mul3A_132 = arith.mulf %get3A_128, %get3A_131 : vector<16xf32>
      %get3A_133 = arith.index_cast %add3A_111 : i32 to index
      %get3A_134 = arith.constant 48 : index
      %get3A_135 = tpu.vector_load %arg7[%get3A_133, %get3A_134] {strides = array<i32>} : memref<512x64xf32, #tpu.memory_space<vmem>>, vector<16xf32>,
      %get3A_136 = arith.index_cast %add3A_111 : i32 to index
      %get3A_137 = arith.constant 48 : index
      %get3A_138 = tpu.vector_load %arg8[%get3A_136, %get3A_137] {strides = array<i32>} : memref<512x64xf32, #tpu.memory_space<vmem>>, vector<16xf32>,
      %mul3A_139 = arith.mulf %get3A_135, %get3A_138 : vector<16xf32>
      %add3A_140 = arith.addf %mul3A_118, %mul3A_125 : vector<16xf32>
      %add3A_141 = arith.addf %mul3A_132, %mul3A_139 : vector<16xf32>
      %add3A_142 = arith.addf %add3A_140, %add3A_141 : vector<16xf32>
      %eq3A_143 = arith.constant 2 : i32
      %eq3A_144 = vector.broadcast %eq3A_143 : i32 to vector<16xi32>
      %eq3A_145 = arith.cmpi eq, %iota3A, %eq3A_144 : vector<16xi32>
      %reduce_sum3A_146 = arith.constant true
      %reduce_sum3A_147 = vector.broadcast %reduce_sum3A_146 : i1 to vector<16xi1>
      %reduce_sum3A_148 = tpu.scan <sum>, %add3A_142 masked %reduce_sum3A_147 : vector<16xf32>, vector<16xi1> -> vector<16xf32>
      %reduce_sum3A_149 = vector.extract %reduce_sum3A_148[15] : f32 from vector<16xf32>
      %broadcast_in_dim3A_150 = vector.broadcast %reduce_sum3A_149 : f32 to vector<16xf32>
      %select_n3A_151 = arith.select %eq3A_145, %broadcast_in_dim3A_150, %select_n3A_107 : vector<16xi1>, vector<16xf32>
      %mul3A_152 = arith.constant 16 : i32
      %mul3A_153 = arith.muli %scan3A_22, %mul3A_152 : i32
      %add3A_154 = arith.constant 3 : i32
      %add3A_155 = arith.addi %mul3A_153, %add3A_154 : i32
      %get3A_156 = arith.index_cast %add3A_155 : i32 to index
      %get3A_157 = arith.constant 0 : index
      %get3A_158 = tpu.vector_load %arg7[%get3A_156, %get3A_157] {strides = array<i32>} : memref<512x64xf32, #tpu.memory_space<vmem>>, vector<16xf32>,
      %get3A_159 = arith.index_cast %add3A_155 : i32 to index
      %get3A_160 = arith.constant 0 : index
      %get3A_161 = tpu.vector_load %arg8[%get3A_159, %get3A_160] {strides = array<i32>} : memref<512x64xf32, #tpu.memory_space<vmem>>, vector<16xf32>,
      %mul3A_162 = arith.mulf %get3A_158, %get3A_161 : vector<16xf32>
      %get3A_163 = arith.index_cast %add3A_155 : i32 to index
      %get3A_164 = arith.constant 16 : index
      %get3A_165 = tpu.vector_load %arg7[%get3A_163, %get3A_164] {strides = array<i32>} : memref<512x64xf32, #tpu.memory_space<vmem>>, vector<16xf32>,
      %get3A_166 = arith.index_cast %add3A_155 : i32 to index
      %get3A_167 = arith.constant 16 : index
      %get3A_168 = tpu.vector_load %arg8[%get3A_166, %get3A_167] {strides = array<i32>} : memref<512x64xf32, #tpu.memory_space<vmem>>, vector<16xf32>,
      %mul3A_169 = arith.mulf %get3A_165, %get3A_168 : vector<16xf32>
      %get3A_170 = arith.index_cast %add3A_155 : i32 to index
      %get3A_171 = arith.constant 32 : index
      %get3A_172 = tpu.vector_load %arg7[%get3A_170, %get3A_171] {strides = array<i32>} : memref<512x64xf32, #tpu.memory_space<vmem>>, vector<16xf32>,
      %get3A_173 = arith.index_cast %add3A_155 : i32 to index
      %get3A_174 = arith.constant 32 : index
      %get3A_175 = tpu.vector_load %arg8[%get3A_173, %get3A_174] {strides = array<i32>} : memref<512x64xf32, #tpu.memory_space<vmem>>, vector<16xf32>,
      %mul3A_176 = arith.mulf %get3A_172, %get3A_175 : vector<16xf32>
      %get3A_177 = arith.index_cast %add3A_155 : i32 to index
      %get3A_178 = arith.constant 48 : index
      %get3A_179 = tpu.vector_load %arg7[%get3A_177, %get3A_178] {strides = array<i32>} : memref<512x64xf32, #tpu.memory_space<vmem>>, vector<16xf32>,
      %get3A_180 = arith.index_cast %add3A_155 : i32 to index
      %get3A_181 = arith.constant 48 : index
      %get3A_182 = tpu.vector_load %arg8[%get3A_180, %get3A_181] {strides = array<i32>} : memref<512x64xf32, #tpu.memory_space<vmem>>, vector<16xf32>,
      %mul3A_183 = arith.mulf %get3A_179, %get3A_182 : vector<16xf32>
      %add3A_184 = arith.addf %mul3A_162, %mul3A_169 : vector<16xf32>
      %add3A_185 = arith.addf %mul3A_176, %mul3A_183 : vector<16xf32>
      %add3A_186 = arith.addf %add3A_184, %add3A_185 : vector<16xf32>
      %eq3A_187 = arith.constant 3 : i32
      %eq3A_188 = vector.broadcast %eq3A_187 : i32 to vector<16xi32>
      %eq3A_189 = arith.cmpi eq, %iota3A, %eq3A_188 : vector<16xi32>
      %reduce_sum3A_190 = arith.constant true
      %reduce_sum3A_191 = vector.broadcast %reduce_sum3A_190 : i1 to vector<16xi1>
      %reduce_sum3A_192 = tpu.scan <sum>, %add3A_186 masked %reduce_sum3A_191 : vector<16xf32>, vector<16xi1> -> vector<16xf32>
      %reduce_sum3A_193 = vector.extract %reduce_sum3A_192[15] : f32 from vector<16xf32>
      %broadcast_in_dim3A_194 = vector.broadcast %reduce_sum3A_193 : f32 to vector<16xf32>
      %select_n3A_195 = arith.select %eq3A_189, %broadcast_in_dim3A_194, %select_n3A_151 : vector<16xi1>, vector<16xf32>
      %mul3A_196 = arith.constant 16 : i32
      %mul3A_197 = arith.muli %scan3A_22, %mul3A_196 : i32
      %add3A_198 = arith.constant 4 : i32
      %add3A_199 = arith.addi %mul3A_197, %add3A_198 : i32
      %get3A_200 = arith.index_cast %add3A_199 : i32 to index
      %get3A_201 = arith.constant 0 : index
      %get3A_202 = tpu.vector_load %arg7[%get3A_200, %get3A_201] {strides = array<i32>} : memref<512x64xf32, #tpu.memory_space<vmem>>, vector<16xf32>,
      %get3A_203 = arith.index_cast %add3A_199 : i32 to index
      %get3A_204 = arith.constant 0 : index
      %get3A_205 = tpu.vector_load %arg8[%get3A_203, %get3A_204] {strides = array<i32>} : memref<512x64xf32, #tpu.memory_space<vmem>>, vector<16xf32>,
      %mul3A_206 = arith.mulf %get3A_202, %get3A_205 : vector<16xf32>
      %get3A_207 = arith.index_cast %add3A_199 : i32 to index
      %get3A_208 = arith.constant 16 : index
      %get3A_209 = tpu.vector_load %arg7[%get3A_207, %get3A_208] {strides = array<i32>} : memref<512x64xf32, #tpu.memory_space<vmem>>, vector<16xf32>,
      %get3A_210 = arith.index_cast %add3A_199 : i32 to index
      %get3A_211 = arith.constant 16 : index
      %get3A_212 = tpu.vector_load %arg8[%get3A_210, %get3A_211] {strides = array<i32>} : memref<512x64xf32, #tpu.memory_space<vmem>>, vector<16xf32>,
      %mul3A_213 = arith.mulf %get3A_209, %get3A_212 : vector<16xf32>
      %get3A_214 = arith.index_cast %add3A_199 : i32 to index
      %get3A_215 = arith.constant 32 : index
      %get3A_216 = tpu.vector_load %arg7[%get3A_214, %get3A_215] {strides = array<i32>} : memref<512x64xf32, #tpu.memory_space<vmem>>, vector<16xf32>,
      %get3A_217 = arith.index_cast %add3A_199 : i32 to index
      %get3A_218 = arith.constant 32 : index
      %get3A_219 = tpu.vector_load %arg8[%get3A_217, %get3A_218] {strides = array<i32>} : memref<512x64xf32, #tpu.memory_space<vmem>>, vector<16xf32>,
      %mul3A_220 = arith.mulf %get3A_216, %get3A_219 : vector<16xf32>
      %get3A_221 = arith.index_cast %add3A_199 : i32 to index
      %get3A_222 = arith.constant 48 : index
      %get3A_223 = tpu.vector_load %arg7[%get3A_221, %get3A_222] {strides = array<i32>} : memref<512x64xf32, #tpu.memory_space<vmem>>, vector<16xf32>,
      %get3A_224 = arith.index_cast %add3A_199 : i32 to index
      %get3A_225 = arith.constant 48 : index
      %get3A_226 = tpu.vector_load %arg8[%get3A_224, %get3A_225] {strides = array<i32>} : memref<512x64xf32, #tpu.memory_space<vmem>>, vector<16xf32>,
      %mul3A_227 = arith.mulf %get3A_223, %get3A_226 : vector<16xf32>
      %add3A_228 = arith.addf %mul3A_206, %mul3A_213 : vector<16xf32>
      %add3A_229 = arith.addf %mul3A_220, %mul3A_227 : vector<16xf32>
      %add3A_230 = arith.addf %add3A_228, %add3A_229 : vector<16xf32>
      %eq3A_231 = arith.constant 4 : i32
      %eq3A_232 = vector.broadcast %eq3A_231 : i32 to vector<16xi32>
      %eq3A_233 = arith.cmpi eq, %iota3A, %eq3A_232 : vector<16xi32>
      %reduce_sum3A_234 = arith.constant true
      %reduce_sum3A_235 = vector.broadcast %reduce_sum3A_234 : i1 to vector<16xi1>
      %reduce_sum3A_236 = tpu.scan <sum>, %add3A_230 masked %reduce_sum3A_235 : vector<16xf32>, vector<16xi1> -> vector<16xf32>
      %reduce_sum3A_237 = vector.extract %reduce_sum3A_236[15] : f32 from vector<16xf32>
      %broadcast_in_dim3A_238 = vector.broadcast %reduce_sum3A_237 : f32 to vector<16xf32>
      %select_n3A_239 = arith.select %eq3A_233, %broadcast_in_dim3A_238, %select_n3A_195 : vector<16xi1>, vector<16xf32>
      %mul3A_240 = arith.constant 16 : i32
      %mul3A_241 = arith.muli %scan3A_22, %mul3A_240 : i32
      %add3A_242 = arith.constant 5 : i32
      %add3A_243 = arith.addi %mul3A_241, %add3A_242 : i32
      %get3A_244 = arith.index_cast %add3A_243 : i32 to index
      %get3A_245 = arith.constant 0 : index
      %get3A_246 = tpu.vector_load %arg7[%get3A_244, %get3A_245] {strides = array<i32>} : memref<512x64xf32, #tpu.memory_space<vmem>>, vector<16xf32>,
      %get3A_247 = arith.index_cast %add3A_243 : i32 to index
      %get3A_248 = arith.constant 0 : index
      %get3A_249 = tpu.vector_load %arg8[%get3A_247, %get3A_248] {strides = array<i32>} : memref<512x64xf32, #tpu.memory_space<vmem>>, vector<16xf32>,
      %mul3A_250 = arith.mulf %get3A_246, %get3A_249 : vector<16xf32>
      %get3A_251 = arith.index_cast %add3A_243 : i32 to index
      %get3A_252 = arith.constant 16 : index
      %get3A_253 = tpu.vector_load %arg7[%get3A_251, %get3A_252] {strides = array<i32>} : memref<512x64xf32, #tpu.memory_space<vmem>>, vector<16xf32>,
      %get3A_254 = arith.index_cast %add3A_243 : i32 to index
      %get3A_255 = arith.constant 16 : index
      %get3A_256 = tpu.vector_load %arg8[%get3A_254, %get3A_255] {strides = array<i32>} : memref<512x64xf32, #tpu.memory_space<vmem>>, vector<16xf32>,
      %mul3A_257 = arith.mulf %get3A_253, %get3A_256 : vector<16xf32>
      %get3A_258 = arith.index_cast %add3A_243 : i32 to index
      %get3A_259 = arith.constant 32 : index
      %get3A_260 = tpu.vector_load %arg7[%get3A_258, %get3A_259] {strides = array<i32>} : memref<512x64xf32, #tpu.memory_space<vmem>>, vector<16xf32>,
      %get3A_261 = arith.index_cast %add3A_243 : i32 to index
      %get3A_262 = arith.constant 32 : index
      %get3A_263 = tpu.vector_load %arg8[%get3A_261, %get3A_262] {strides = array<i32>} : memref<512x64xf32, #tpu.memory_space<vmem>>, vector<16xf32>,
      %mul3A_264 = arith.mulf %get3A_260, %get3A_263 : vector<16xf32>
      %get3A_265 = arith.index_cast %add3A_243 : i32 to index
      %get3A_266 = arith.constant 48 : index
      %get3A_267 = tpu.vector_load %arg7[%get3A_265, %get3A_266] {strides = array<i32>} : memref<512x64xf32, #tpu.memory_space<vmem>>, vector<16xf32>,
      %get3A_268 = arith.index_cast %add3A_243 : i32 to index
      %get3A_269 = arith.constant 48 : index
      %get3A_270 = tpu.vector_load %arg8[%get3A_268, %get3A_269] {strides = array<i32>} : memref<512x64xf32, #tpu.memory_space<vmem>>, vector<16xf32>,
      %mul3A_271 = arith.mulf %get3A_267, %get3A_270 : vector<16xf32>
      %add3A_272 = arith.addf %mul3A_250, %mul3A_257 : vector<16xf32>
      %add3A_273 = arith.addf %mul3A_264, %mul3A_271 : vector<16xf32>
      %add3A_274 = arith.addf %add3A_272, %add3A_273 : vector<16xf32>
      %eq3A_275 = arith.constant 5 : i32
      %eq3A_276 = vector.broadcast %eq3A_275 : i32 to vector<16xi32>
      %eq3A_277 = arith.cmpi eq, %iota3A, %eq3A_276 : vector<16xi32>
      %reduce_sum3A_278 = arith.constant true
      %reduce_sum3A_279 = vector.broadcast %reduce_sum3A_278 : i1 to vector<16xi1>
      %reduce_sum3A_280 = tpu.scan <sum>, %add3A_274 masked %reduce_sum3A_279 : vector<16xf32>, vector<16xi1> -> vector<16xf32>
      %reduce_sum3A_281 = vector.extract %reduce_sum3A_280[15] : f32 from vector<16xf32>
      %broadcast_in_dim3A_282 = vector.broadcast %reduce_sum3A_281 : f32 to vector<16xf32>
      %select_n3A_283 = arith.select %eq3A_277, %broadcast_in_dim3A_282, %select_n3A_239 : vector<16xi1>, vector<16xf32>
      %mul3A_284 = arith.constant 16 : i32
      %mul3A_285 = arith.muli %scan3A_22, %mul3A_284 : i32
      %add3A_286 = arith.constant 6 : i32
      %add3A_287 = arith.addi %mul3A_285, %add3A_286 : i32
      %get3A_288 = arith.index_cast %add3A_287 : i32 to index
      %get3A_289 = arith.constant 0 : index
      %get3A_290 = tpu.vector_load %arg7[%get3A_288, %get3A_289] {strides = array<i32>} : memref<512x64xf32, #tpu.memory_space<vmem>>, vector<16xf32>,
      %get3A_291 = arith.index_cast %add3A_287 : i32 to index
      %get3A_292 = arith.constant 0 : index
      %get3A_293 = tpu.vector_load %arg8[%get3A_291, %get3A_292] {strides = array<i32>} : memref<512x64xf32, #tpu.memory_space<vmem>>, vector<16xf32>,
      %mul3A_294 = arith.mulf %get3A_290, %get3A_293 : vector<16xf32>
      %get3A_295 = arith.index_cast %add3A_287 : i32 to index
      %get3A_296 = arith.constant 16 : index
      %get3A_297 = tpu.vector_load %arg7[%get3A_295, %get3A_296] {strides = array<i32>} : memref<512x64xf32, #tpu.memory_space<vmem>>, vector<16xf32>,
      %get3A_298 = arith.index_cast %add3A_287 : i32 to index
      %get3A_299 = arith.constant 16 : index
      %get3A_300 = tpu.vector_load %arg8[%get3A_298, %get3A_299] {strides = array<i32>} : memref<512x64xf32, #tpu.memory_space<vmem>>, vector<16xf32>,
      %mul3A_301 = arith.mulf %get3A_297, %get3A_300 : vector<16xf32>
      %get3A_302 = arith.index_cast %add3A_287 : i32 to index
      %get3A_303 = arith.constant 32 : index
      %get3A_304 = tpu.vector_load %arg7[%get3A_302, %get3A_303] {strides = array<i32>} : memref<512x64xf32, #tpu.memory_space<vmem>>, vector<16xf32>,
      %get3A_305 = arith.index_cast %add3A_287 : i32 to index
      %get3A_306 = arith.constant 32 : index
      %get3A_307 = tpu.vector_load %arg8[%get3A_305, %get3A_306] {strides = array<i32>} : memref<512x64xf32, #tpu.memory_space<vmem>>, vector<16xf32>,
      %mul3A_308 = arith.mulf %get3A_304, %get3A_307 : vector<16xf32>
      %get3A_309 = arith.index_cast %add3A_287 : i32 to index
      %get3A_310 = arith.constant 48 : index
      %get3A_311 = tpu.vector_load %arg7[%get3A_309, %get3A_310] {strides = array<i32>} : memref<512x64xf32, #tpu.memory_space<vmem>>, vector<16xf32>,
      %get3A_312 = arith.index_cast %add3A_287 : i32 to index
      %get3A_313 = arith.constant 48 : index
      %get3A_314 = tpu.vector_load %arg8[%get3A_312, %get3A_313] {strides = array<i32>} : memref<512x64xf32, #tpu.memory_space<vmem>>, vector<16xf32>,
      %mul3A_315 = arith.mulf %get3A_311, %get3A_314 : vector<16xf32>
      %add3A_316 = arith.addf %mul3A_294, %mul3A_301 : vector<16xf32>
      %add3A_317 = arith.addf %mul3A_308, %mul3A_315 : vector<16xf32>
      %add3A_318 = arith.addf %add3A_316, %add3A_317 : vector<16xf32>
      %eq3A_319 = arith.constant 6 : i32
      %eq3A_320 = vector.broadcast %eq3A_319 : i32 to vector<16xi32>
      %eq3A_321 = arith.cmpi eq, %iota3A, %eq3A_320 : vector<16xi32>
      %reduce_sum3A_322 = arith.constant true
      %reduce_sum3A_323 = vector.broadcast %reduce_sum3A_322 : i1 to vector<16xi1>
      %reduce_sum3A_324 = tpu.scan <sum>, %add3A_318 masked %reduce_sum3A_323 : vector<16xf32>, vector<16xi1> -> vector<16xf32>
      %reduce_sum3A_325 = vector.extract %reduce_sum3A_324[15] : f32 from vector<16xf32>
      %broadcast_in_dim3A_326 = vector.broadcast %reduce_sum3A_325 : f32 to vector<16xf32>
      %select_n3A_327 = arith.select %eq3A_321, %broadcast_in_dim3A_326, %select_n3A_283 : vector<16xi1>, vector<16xf32>
      %mul3A_328 = arith.constant 16 : i32
      %mul3A_329 = arith.muli %scan3A_22, %mul3A_328 : i32
      %add3A_330 = arith.constant 7 : i32
      %add3A_331 = arith.addi %mul3A_329, %add3A_330 : i32
      %get3A_332 = arith.index_cast %add3A_331 : i32 to index
      %get3A_333 = arith.constant 0 : index
      %get3A_334 = tpu.vector_load %arg7[%get3A_332, %get3A_333] {strides = array<i32>} : memref<512x64xf32, #tpu.memory_space<vmem>>, vector<16xf32>,
      %get3A_335 = arith.index_cast %add3A_331 : i32 to index
      %get3A_336 = arith.constant 0 : index
      %get3A_337 = tpu.vector_load %arg8[%get3A_335, %get3A_336] {strides = array<i32>} : memref<512x64xf32, #tpu.memory_space<vmem>>, vector<16xf32>,
      %mul3A_338 = arith.mulf %get3A_334, %get3A_337 : vector<16xf32>
      %get3A_339 = arith.index_cast %add3A_331 : i32 to index
      %get3A_340 = arith.constant 16 : index
      %get3A_341 = tpu.vector_load %arg7[%get3A_339, %get3A_340] {strides = array<i32>} : memref<512x64xf32, #tpu.memory_space<vmem>>, vector<16xf32>,
      %get3A_342 = arith.index_cast %add3A_331 : i32 to index
      %get3A_343 = arith.constant 16 : index
      %get3A_344 = tpu.vector_load %arg8[%get3A_342, %get3A_343] {strides = array<i32>} : memref<512x64xf32, #tpu.memory_space<vmem>>, vector<16xf32>,
      %mul3A_345 = arith.mulf %get3A_341, %get3A_344 : vector<16xf32>
      %get3A_346 = arith.index_cast %add3A_331 : i32 to index
      %get3A_347 = arith.constant 32 : index
      %get3A_348 = tpu.vector_load %arg7[%get3A_346, %get3A_347] {strides = array<i32>} : memref<512x64xf32, #tpu.memory_space<vmem>>, vector<16xf32>,
      %get3A_349 = arith.index_cast %add3A_331 : i32 to index
      %get3A_350 = arith.constant 32 : index
      %get3A_351 = tpu.vector_load %arg8[%get3A_349, %get3A_350] {strides = array<i32>} : memref<512x64xf32, #tpu.memory_space<vmem>>, vector<16xf32>,
      %mul3A_352 = arith.mulf %get3A_348, %get3A_351 : vector<16xf32>
      %get3A_353 = arith.index_cast %add3A_331 : i32 to index
      %get3A_354 = arith.constant 48 : index
      %get3A_355 = tpu.vector_load %arg7[%get3A_353, %get3A_354] {strides = array<i32>} : memref<512x64xf32, #tpu.memory_space<vmem>>, vector<16xf32>,
      %get3A_356 = arith.index_cast %add3A_331 : i32 to index
      %get3A_357 = arith.constant 48 : index
      %get3A_358 = tpu.vector_load %arg8[%get3A_356, %get3A_357] {strides = array<i32>} : memref<512x64xf32, #tpu.memory_space<vmem>>, vector<16xf32>,
      %mul3A_359 = arith.mulf %get3A_355, %get3A_358 : vector<16xf32>
      %add3A_360 = arith.addf %mul3A_338, %mul3A_345 : vector<16xf32>
      %add3A_361 = arith.addf %mul3A_352, %mul3A_359 : vector<16xf32>
      %add3A_362 = arith.addf %add3A_360, %add3A_361 : vector<16xf32>
      %eq3A_363 = arith.constant 7 : i32
      %eq3A_364 = vector.broadcast %eq3A_363 : i32 to vector<16xi32>
      %eq3A_365 = arith.cmpi eq, %iota3A, %eq3A_364 : vector<16xi32>
      %reduce_sum3A_366 = arith.constant true
      %reduce_sum3A_367 = vector.broadcast %reduce_sum3A_366 : i1 to vector<16xi1>
      %reduce_sum3A_368 = tpu.scan <sum>, %add3A_362 masked %reduce_sum3A_367 : vector<16xf32>, vector<16xi1> -> vector<16xf32>
      %reduce_sum3A_369 = vector.extract %reduce_sum3A_368[15] : f32 from vector<16xf32>
      %broadcast_in_dim3A_370 = vector.broadcast %reduce_sum3A_369 : f32 to vector<16xf32>
      %select_n3A_371 = arith.select %eq3A_365, %broadcast_in_dim3A_370, %select_n3A_327 : vector<16xi1>, vector<16xf32>
      %mul3A_372 = arith.constant 16 : i32
      %mul3A_373 = arith.muli %scan3A_22, %mul3A_372 : i32
      %add3A_374 = arith.constant 8 : i32
      %add3A_375 = arith.addi %mul3A_373, %add3A_374 : i32
      %get3A_376 = arith.index_cast %add3A_375 : i32 to index
      %get3A_377 = arith.constant 0 : index
      %get3A_378 = tpu.vector_load %arg7[%get3A_376, %get3A_377] {strides = array<i32>} : memref<512x64xf32, #tpu.memory_space<vmem>>, vector<16xf32>,
      %get3A_379 = arith.index_cast %add3A_375 : i32 to index
      %get3A_380 = arith.constant 0 : index
      %get3A_381 = tpu.vector_load %arg8[%get3A_379, %get3A_380] {strides = array<i32>} : memref<512x64xf32, #tpu.memory_space<vmem>>, vector<16xf32>,
      %mul3A_382 = arith.mulf %get3A_378, %get3A_381 : vector<16xf32>
      %get3A_383 = arith.index_cast %add3A_375 : i32 to index
      %get3A_384 = arith.constant 16 : index
      %get3A_385 = tpu.vector_load %arg7[%get3A_383, %get3A_384] {strides = array<i32>} : memref<512x64xf32, #tpu.memory_space<vmem>>, vector<16xf32>,
      %get3A_386 = arith.index_cast %add3A_375 : i32 to index
      %get3A_387 = arith.constant 16 : index
      %get3A_388 = tpu.vector_load %arg8[%get3A_386, %get3A_387] {strides = array<i32>} : memref<512x64xf32, #tpu.memory_space<vmem>>, vector<16xf32>,
      %mul3A_389 = arith.mulf %get3A_385, %get3A_388 : vector<16xf32>
      %get3A_390 = arith.index_cast %add3A_375 : i32 to index
      %get3A_391 = arith.constant 32 : index
      %get3A_392 = tpu.vector_load %arg7[%get3A_390, %get3A_391] {strides = array<i32>} : memref<512x64xf32, #tpu.memory_space<vmem>>, vector<16xf32>,
      %get3A_393 = arith.index_cast %add3A_375 : i32 to index
      %get3A_394 = arith.constant 32 : index
      %get3A_395 = tpu.vector_load %arg8[%get3A_393, %get3A_394] {strides = array<i32>} : memref<512x64xf32, #tpu.memory_space<vmem>>, vector<16xf32>,
      %mul3A_396 = arith.mulf %get3A_392, %get3A_395 : vector<16xf32>
      %get3A_397 = arith.index_cast %add3A_375 : i32 to index
      %get3A_398 = arith.constant 48 : index
      %get3A_399 = tpu.vector_load %arg7[%get3A_397, %get3A_398] {strides = array<i32>} : memref<512x64xf32, #tpu.memory_space<vmem>>, vector<16xf32>,
      %get3A_400 = arith.index_cast %add3A_375 : i32 to index
      %get3A_401 = arith.constant 48 : index
      %get3A_402 = tpu.vector_load %arg8[%get3A_400, %get3A_401] {strides = array<i32>} : memref<512x64xf32, #tpu.memory_space<vmem>>, vector<16xf32>,
      %mul3A_403 = arith.mulf %get3A_399, %get3A_402 : vector<16xf32>
      %add3A_404 = arith.addf %mul3A_382, %mul3A_389 : vector<16xf32>
      %add3A_405 = arith.addf %mul3A_396, %mul3A_403 : vector<16xf32>
      %add3A_406 = arith.addf %add3A_404, %add3A_405 : vector<16xf32>
      %eq3A_407 = arith.constant 8 : i32
      %eq3A_408 = vector.broadcast %eq3A_407 : i32 to vector<16xi32>
      %eq3A_409 = arith.cmpi eq, %iota3A, %eq3A_408 : vector<16xi32>
      %reduce_sum3A_410 = arith.constant true
      %reduce_sum3A_411 = vector.broadcast %reduce_sum3A_410 : i1 to vector<16xi1>
      %reduce_sum3A_412 = tpu.scan <sum>, %add3A_406 masked %reduce_sum3A_411 : vector<16xf32>, vector<16xi1> -> vector<16xf32>
      %reduce_sum3A_413 = vector.extract %reduce_sum3A_412[15] : f32 from vector<16xf32>
      %broadcast_in_dim3A_414 = vector.broadcast %reduce_sum3A_413 : f32 to vector<16xf32>
      %select_n3A_415 = arith.select %eq3A_409, %broadcast_in_dim3A_414, %select_n3A_371 : vector<16xi1>, vector<16xf32>
      %mul3A_416 = arith.constant 16 : i32
      %mul3A_417 = arith.muli %scan3A_22, %mul3A_416 : i32
      %add3A_418 = arith.constant 9 : i32
      %add3A_419 = arith.addi %mul3A_417, %add3A_418 : i32
      %get3A_420 = arith.index_cast %add3A_419 : i32 to index
      %get3A_421 = arith.constant 0 : index
      %get3A_422 = tpu.vector_load %arg7[%get3A_420, %get3A_421] {strides = array<i32>} : memref<512x64xf32, #tpu.memory_space<vmem>>, vector<16xf32>,
      %get3A_423 = arith.index_cast %add3A_419 : i32 to index
      %get3A_424 = arith.constant 0 : index
      %get3A_425 = tpu.vector_load %arg8[%get3A_423, %get3A_424] {strides = array<i32>} : memref<512x64xf32, #tpu.memory_space<vmem>>, vector<16xf32>,
      %mul3A_426 = arith.mulf %get3A_422, %get3A_425 : vector<16xf32>
      %get3A_427 = arith.index_cast %add3A_419 : i32 to index
      %get3A_428 = arith.constant 16 : index
      %get3A_429 = tpu.vector_load %arg7[%get3A_427, %get3A_428] {strides = array<i32>} : memref<512x64xf32, #tpu.memory_space<vmem>>, vector<16xf32>,
      %get3A_430 = arith.index_cast %add3A_419 : i32 to index
      %get3A_431 = arith.constant 16 : index
      %get3A_432 = tpu.vector_load %arg8[%get3A_430, %get3A_431] {strides = array<i32>} : memref<512x64xf32, #tpu.memory_space<vmem>>, vector<16xf32>,
      %mul3A_433 = arith.mulf %get3A_429, %get3A_432 : vector<16xf32>
      %get3A_434 = arith.index_cast %add3A_419 : i32 to index
      %get3A_435 = arith.constant 32 : index
      %get3A_436 = tpu.vector_load %arg7[%get3A_434, %get3A_435] {strides = array<i32>} : memref<512x64xf32, #tpu.memory_space<vmem>>, vector<16xf32>,
      %get3A_437 = arith.index_cast %add3A_419 : i32 to index
      %get3A_438 = arith.constant 32 : index
      %get3A_439 = tpu.vector_load %arg8[%get3A_437, %get3A_438] {strides = array<i32>} : memref<512x64xf32, #tpu.memory_space<vmem>>, vector<16xf32>,
      %mul3A_440 = arith.mulf %get3A_436, %get3A_439 : vector<16xf32>
      %get3A_441 = arith.index_cast %add3A_419 : i32 to index
      %get3A_442 = arith.constant 48 : index
      %get3A_443 = tpu.vector_load %arg7[%get3A_441, %get3A_442] {strides = array<i32>} : memref<512x64xf32, #tpu.memory_space<vmem>>, vector<16xf32>,
      %get3A_444 = arith.index_cast %add3A_419 : i32 to index
      %get3A_445 = arith.constant 48 : index
      %get3A_446 = tpu.vector_load %arg8[%get3A_444, %get3A_445] {strides = array<i32>} : memref<512x64xf32, #tpu.memory_space<vmem>>, vector<16xf32>,
      %mul3A_447 = arith.mulf %get3A_443, %get3A_446 : vector<16xf32>
      %add3A_448 = arith.addf %mul3A_426, %mul3A_433 : vector<16xf32>
      %add3A_449 = arith.addf %mul3A_440, %mul3A_447 : vector<16xf32>
      %add3A_450 = arith.addf %add3A_448, %add3A_449 : vector<16xf32>
      %eq3A_451 = arith.constant 9 : i32
      %eq3A_452 = vector.broadcast %eq3A_451 : i32 to vector<16xi32>
      %eq3A_453 = arith.cmpi eq, %iota3A, %eq3A_452 : vector<16xi32>
      %reduce_sum3A_454 = arith.constant true
      %reduce_sum3A_455 = vector.broadcast %reduce_sum3A_454 : i1 to vector<16xi1>
      %reduce_sum3A_456 = tpu.scan <sum>, %add3A_450 masked %reduce_sum3A_455 : vector<16xf32>, vector<16xi1> -> vector<16xf32>
      %reduce_sum3A_457 = vector.extract %reduce_sum3A_456[15] : f32 from vector<16xf32>
      %broadcast_in_dim3A_458 = vector.broadcast %reduce_sum3A_457 : f32 to vector<16xf32>
      %select_n3A_459 = arith.select %eq3A_453, %broadcast_in_dim3A_458, %select_n3A_415 : vector<16xi1>, vector<16xf32>
      %mul3A_460 = arith.constant 16 : i32
      %mul3A_461 = arith.muli %scan3A_22, %mul3A_460 : i32
      %add3A_462 = arith.constant 10 : i32
      %add3A_463 = arith.addi %mul3A_461, %add3A_462 : i32
      %get3A_464 = arith.index_cast %add3A_463 : i32 to index
      %get3A_465 = arith.constant 0 : index
      %get3A_466 = tpu.vector_load %arg7[%get3A_464, %get3A_465] {strides = array<i32>} : memref<512x64xf32, #tpu.memory_space<vmem>>, vector<16xf32>,
      %get3A_467 = arith.index_cast %add3A_463 : i32 to index
      %get3A_468 = arith.constant 0 : index
      %get3A_469 = tpu.vector_load %arg8[%get3A_467, %get3A_468] {strides = array<i32>} : memref<512x64xf32, #tpu.memory_space<vmem>>, vector<16xf32>,
      %mul3A_470 = arith.mulf %get3A_466, %get3A_469 : vector<16xf32>
      %get3A_471 = arith.index_cast %add3A_463 : i32 to index
      %get3A_472 = arith.constant 16 : index
      %get3A_473 = tpu.vector_load %arg7[%get3A_471, %get3A_472] {strides = array<i32>} : memref<512x64xf32, #tpu.memory_space<vmem>>, vector<16xf32>,
      %get3A_474 = arith.index_cast %add3A_463 : i32 to index
      %get3A_475 = arith.constant 16 : index
      %get3A_476 = tpu.vector_load %arg8[%get3A_474, %get3A_475] {strides = array<i32>} : memref<512x64xf32, #tpu.memory_space<vmem>>, vector<16xf32>,
      %mul3A_477 = arith.mulf %get3A_473, %get3A_476 : vector<16xf32>
      %get3A_478 = arith.index_cast %add3A_463 : i32 to index
      %get3A_479 = arith.constant 32 : index
      %get3A_480 = tpu.vector_load %arg7[%get3A_478, %get3A_479] {strides = array<i32>} : memref<512x64xf32, #tpu.memory_space<vmem>>, vector<16xf32>,
      %get3A_481 = arith.index_cast %add3A_463 : i32 to index
      %get3A_482 = arith.constant 32 : index
      %get3A_483 = tpu.vector_load %arg8[%get3A_481, %get3A_482] {strides = array<i32>} : memref<512x64xf32, #tpu.memory_space<vmem>>, vector<16xf32>,
      %mul3A_484 = arith.mulf %get3A_480, %get3A_483 : vector<16xf32>
      %get3A_485 = arith.index_cast %add3A_463 : i32 to index
      %get3A_486 = arith.constant 48 : index
      %get3A_487 = tpu.vector_load %arg7[%get3A_485, %get3A_486] {strides = array<i32>} : memref<512x64xf32, #tpu.memory_space<vmem>>, vector<16xf32>,
      %get3A_488 = arith.index_cast %add3A_463 : i32 to index
      %get3A_489 = arith.constant 48 : index
      %get3A_490 = tpu.vector_load %arg8[%get3A_488, %get3A_489] {strides = array<i32>} : memref<512x64xf32, #tpu.memory_space<vmem>>, vector<16xf32>,
      %mul3A_491 = arith.mulf %get3A_487, %get3A_490 : vector<16xf32>
      %add3A_492 = arith.addf %mul3A_470, %mul3A_477 : vector<16xf32>
      %add3A_493 = arith.addf %mul3A_484, %mul3A_491 : vector<16xf32>
      %add3A_494 = arith.addf %add3A_492, %add3A_493 : vector<16xf32>
      %eq3A_495 = arith.constant 10 : i32
      %eq3A_496 = vector.broadcast %eq3A_495 : i32 to vector<16xi32>
      %eq3A_497 = arith.cmpi eq, %iota3A, %eq3A_496 : vector<16xi32>
      %reduce_sum3A_498 = arith.constant true
      %reduce_sum3A_499 = vector.broadcast %reduce_sum3A_498 : i1 to vector<16xi1>
      %reduce_sum3A_500 = tpu.scan <sum>, %add3A_494 masked %reduce_sum3A_499 : vector<16xf32>, vector<16xi1> -> vector<16xf32>
      %reduce_sum3A_501 = vector.extract %reduce_sum3A_500[15] : f32 from vector<16xf32>
      %broadcast_in_dim3A_502 = vector.broadcast %reduce_sum3A_501 : f32 to vector<16xf32>
      %select_n3A_503 = arith.select %eq3A_497, %broadcast_in_dim3A_502, %select_n3A_459 : vector<16xi1>, vector<16xf32>
      %mul3A_504 = arith.constant 16 : i32
      %mul3A_505 = arith.muli %scan3A_22, %mul3A_504 : i32
      %add3A_506 = arith.constant 11 : i32
      %add3A_507 = arith.addi %mul3A_505, %add3A_506 : i32
      %get3A_508 = arith.index_cast %add3A_507 : i32 to index
      %get3A_509 = arith.constant 0 : index
      %get3A_510 = tpu.vector_load %arg7[%get3A_508, %get3A_509] {strides = array<i32>} : memref<512x64xf32, #tpu.memory_space<vmem>>, vector<16xf32>,
      %get3A_511 = arith.index_cast %add3A_507 : i32 to index
      %get3A_512 = arith.constant 0 : index
      %get3A_513 = tpu.vector_load %arg8[%get3A_511, %get3A_512] {strides = array<i32>} : memref<512x64xf32, #tpu.memory_space<vmem>>, vector<16xf32>,
      %mul3A_514 = arith.mulf %get3A_510, %get3A_513 : vector<16xf32>
      %get3A_515 = arith.index_cast %add3A_507 : i32 to index
      %get3A_516 = arith.constant 16 : index
      %get3A_517 = tpu.vector_load %arg7[%get3A_515, %get3A_516] {strides = array<i32>} : memref<512x64xf32, #tpu.memory_space<vmem>>, vector<16xf32>,
      %get3A_518 = arith.index_cast %add3A_507 : i32 to index
      %get3A_519 = arith.constant 16 : index
      %get3A_520 = tpu.vector_load %arg8[%get3A_518, %get3A_519] {strides = array<i32>} : memref<512x64xf32, #tpu.memory_space<vmem>>, vector<16xf32>,
      %mul3A_521 = arith.mulf %get3A_517, %get3A_520 : vector<16xf32>
      %get3A_522 = arith.index_cast %add3A_507 : i32 to index
      %get3A_523 = arith.constant 32 : index
      %get3A_524 = tpu.vector_load %arg7[%get3A_522, %get3A_523] {strides = array<i32>} : memref<512x64xf32, #tpu.memory_space<vmem>>, vector<16xf32>,
      %get3A_525 = arith.index_cast %add3A_507 : i32 to index
      %get3A_526 = arith.constant 32 : index
      %get3A_527 = tpu.vector_load %arg8[%get3A_525, %get3A_526] {strides = array<i32>} : memref<512x64xf32, #tpu.memory_space<vmem>>, vector<16xf32>,
      %mul3A_528 = arith.mulf %get3A_524, %get3A_527 : vector<16xf32>
      %get3A_529 = arith.index_cast %add3A_507 : i32 to index
      %get3A_530 = arith.constant 48 : index
      %get3A_531 = tpu.vector_load %arg7[%get3A_529, %get3A_530] {strides = array<i32>} : memref<512x64xf32, #tpu.memory_space<vmem>>, vector<16xf32>,
      %get3A_532 = arith.index_cast %add3A_507 : i32 to index
      %get3A_533 = arith.constant 48 : index
      %get3A_534 = tpu.vector_load %arg8[%get3A_532, %get3A_533] {strides = array<i32>} : memref<512x64xf32, #tpu.memory_space<vmem>>, vector<16xf32>,
      %mul3A_535 = arith.mulf %get3A_531, %get3A_534 : vector<16xf32>
      %add3A_536 = arith.addf %mul3A_514, %mul3A_521 : vector<16xf32>
      %add3A_537 = arith.addf %mul3A_528, %mul3A_535 : vector<16xf32>
      %add3A_538 = arith.addf %add3A_536, %add3A_537 : vector<16xf32>
      %eq3A_539 = arith.constant 11 : i32
      %eq3A_540 = vector.broadcast %eq3A_539 : i32 to vector<16xi32>
      %eq3A_541 = arith.cmpi eq, %iota3A, %eq3A_540 : vector<16xi32>
      %reduce_sum3A_542 = arith.constant true
      %reduce_sum3A_543 = vector.broadcast %reduce_sum3A_542 : i1 to vector<16xi1>
      %reduce_sum3A_544 = tpu.scan <sum>, %add3A_538 masked %reduce_sum3A_543 : vector<16xf32>, vector<16xi1> -> vector<16xf32>
      %reduce_sum3A_545 = vector.extract %reduce_sum3A_544[15] : f32 from vector<16xf32>
      %broadcast_in_dim3A_546 = vector.broadcast %reduce_sum3A_545 : f32 to vector<16xf32>
      %select_n3A_547 = arith.select %eq3A_541, %broadcast_in_dim3A_546, %select_n3A_503 : vector<16xi1>, vector<16xf32>
      %mul3A_548 = arith.constant 16 : i32
      %mul3A_549 = arith.muli %scan3A_22, %mul3A_548 : i32
      %add3A_550 = arith.constant 12 : i32
      %add3A_551 = arith.addi %mul3A_549, %add3A_550 : i32
      %get3A_552 = arith.index_cast %add3A_551 : i32 to index
      %get3A_553 = arith.constant 0 : index
      %get3A_554 = tpu.vector_load %arg7[%get3A_552, %get3A_553] {strides = array<i32>} : memref<512x64xf32, #tpu.memory_space<vmem>>, vector<16xf32>,
      %get3A_555 = arith.index_cast %add3A_551 : i32 to index
      %get3A_556 = arith.constant 0 : index
      %get3A_557 = tpu.vector_load %arg8[%get3A_555, %get3A_556] {strides = array<i32>} : memref<512x64xf32, #tpu.memory_space<vmem>>, vector<16xf32>,
      %mul3A_558 = arith.mulf %get3A_554, %get3A_557 : vector<16xf32>
      %get3A_559 = arith.index_cast %add3A_551 : i32 to index
      %get3A_560 = arith.constant 16 : index
      %get3A_561 = tpu.vector_load %arg7[%get3A_559, %get3A_560] {strides = array<i32>} : memref<512x64xf32, #tpu.memory_space<vmem>>, vector<16xf32>,
      %get3A_562 = arith.index_cast %add3A_551 : i32 to index
      %get3A_563 = arith.constant 16 : index
      %get3A_564 = tpu.vector_load %arg8[%get3A_562, %get3A_563] {strides = array<i32>} : memref<512x64xf32, #tpu.memory_space<vmem>>, vector<16xf32>,
      %mul3A_565 = arith.mulf %get3A_561, %get3A_564 : vector<16xf32>
      %get3A_566 = arith.index_cast %add3A_551 : i32 to index
      %get3A_567 = arith.constant 32 : index
      %get3A_568 = tpu.vector_load %arg7[%get3A_566, %get3A_567] {strides = array<i32>} : memref<512x64xf32, #tpu.memory_space<vmem>>, vector<16xf32>,
      %get3A_569 = arith.index_cast %add3A_551 : i32 to index
      %get3A_570 = arith.constant 32 : index
      %get3A_571 = tpu.vector_load %arg8[%get3A_569, %get3A_570] {strides = array<i32>} : memref<512x64xf32, #tpu.memory_space<vmem>>, vector<16xf32>,
      %mul3A_572 = arith.mulf %get3A_568, %get3A_571 : vector<16xf32>
      %get3A_573 = arith.index_cast %add3A_551 : i32 to index
      %get3A_574 = arith.constant 48 : index
      %get3A_575 = tpu.vector_load %arg7[%get3A_573, %get3A_574] {strides = array<i32>} : memref<512x64xf32, #tpu.memory_space<vmem>>, vector<16xf32>,
      %get3A_576 = arith.index_cast %add3A_551 : i32 to index
      %get3A_577 = arith.constant 48 : index
      %get3A_578 = tpu.vector_load %arg8[%get3A_576, %get3A_577] {strides = array<i32>} : memref<512x64xf32, #tpu.memory_space<vmem>>, vector<16xf32>,
      %mul3A_579 = arith.mulf %get3A_575, %get3A_578 : vector<16xf32>
      %add3A_580 = arith.addf %mul3A_558, %mul3A_565 : vector<16xf32>
      %add3A_581 = arith.addf %mul3A_572, %mul3A_579 : vector<16xf32>
      %add3A_582 = arith.addf %add3A_580, %add3A_581 : vector<16xf32>
      %eq3A_583 = arith.constant 12 : i32
      %eq3A_584 = vector.broadcast %eq3A_583 : i32 to vector<16xi32>
      %eq3A_585 = arith.cmpi eq, %iota3A, %eq3A_584 : vector<16xi32>
      %reduce_sum3A_586 = arith.constant true
      %reduce_sum3A_587 = vector.broadcast %reduce_sum3A_586 : i1 to vector<16xi1>
      %reduce_sum3A_588 = tpu.scan <sum>, %add3A_582 masked %reduce_sum3A_587 : vector<16xf32>, vector<16xi1> -> vector<16xf32>
      %reduce_sum3A_589 = vector.extract %reduce_sum3A_588[15] : f32 from vector<16xf32>
      %broadcast_in_dim3A_590 = vector.broadcast %reduce_sum3A_589 : f32 to vector<16xf32>
      %select_n3A_591 = arith.select %eq3A_585, %broadcast_in_dim3A_590, %select_n3A_547 : vector<16xi1>, vector<16xf32>
      %mul3A_592 = arith.constant 16 : i32
      %mul3A_593 = arith.muli %scan3A_22, %mul3A_592 : i32
      %add3A_594 = arith.constant 13 : i32
      %add3A_595 = arith.addi %mul3A_593, %add3A_594 : i32
      %get3A_596 = arith.index_cast %add3A_595 : i32 to index
      %get3A_597 = arith.constant 0 : index
      %get3A_598 = tpu.vector_load %arg7[%get3A_596, %get3A_597] {strides = array<i32>} : memref<512x64xf32, #tpu.memory_space<vmem>>, vector<16xf32>,
      %get3A_599 = arith.index_cast %add3A_595 : i32 to index
      %get3A_600 = arith.constant 0 : index
      %get3A_601 = tpu.vector_load %arg8[%get3A_599, %get3A_600] {strides = array<i32>} : memref<512x64xf32, #tpu.memory_space<vmem>>, vector<16xf32>,
      %mul3A_602 = arith.mulf %get3A_598, %get3A_601 : vector<16xf32>
      %get3A_603 = arith.index_cast %add3A_595 : i32 to index
      %get3A_604 = arith.constant 16 : index
      %get3A_605 = tpu.vector_load %arg7[%get3A_603, %get3A_604] {strides = array<i32>} : memref<512x64xf32, #tpu.memory_space<vmem>>, vector<16xf32>,
      %get3A_606 = arith.index_cast %add3A_595 : i32 to index
      %get3A_607 = arith.constant 16 : index
      %get3A_608 = tpu.vector_load %arg8[%get3A_606, %get3A_607] {strides = array<i32>} : memref<512x64xf32, #tpu.memory_space<vmem>>, vector<16xf32>,
      %mul3A_609 = arith.mulf %get3A_605, %get3A_608 : vector<16xf32>
      %get3A_610 = arith.index_cast %add3A_595 : i32 to index
      %get3A_611 = arith.constant 32 : index
      %get3A_612 = tpu.vector_load %arg7[%get3A_610, %get3A_611] {strides = array<i32>} : memref<512x64xf32, #tpu.memory_space<vmem>>, vector<16xf32>,
      %get3A_613 = arith.index_cast %add3A_595 : i32 to index
      %get3A_614 = arith.constant 32 : index
      %get3A_615 = tpu.vector_load %arg8[%get3A_613, %get3A_614] {strides = array<i32>} : memref<512x64xf32, #tpu.memory_space<vmem>>, vector<16xf32>,
      %mul3A_616 = arith.mulf %get3A_612, %get3A_615 : vector<16xf32>
      %get3A_617 = arith.index_cast %add3A_595 : i32 to index
      %get3A_618 = arith.constant 48 : index
      %get3A_619 = tpu.vector_load %arg7[%get3A_617, %get3A_618] {strides = array<i32>} : memref<512x64xf32, #tpu.memory_space<vmem>>, vector<16xf32>,
      %get3A_620 = arith.index_cast %add3A_595 : i32 to index
      %get3A_621 = arith.constant 48 : index
      %get3A_622 = tpu.vector_load %arg8[%get3A_620, %get3A_621] {strides = array<i32>} : memref<512x64xf32, #tpu.memory_space<vmem>>, vector<16xf32>,
      %mul3A_623 = arith.mulf %get3A_619, %get3A_622 : vector<16xf32>
      %add3A_624 = arith.addf %mul3A_602, %mul3A_609 : vector<16xf32>
      %add3A_625 = arith.addf %mul3A_616, %mul3A_623 : vector<16xf32>
      %add3A_626 = arith.addf %add3A_624, %add3A_625 : vector<16xf32>
      %eq3A_627 = arith.constant 13 : i32
      %eq3A_628 = vector.broadcast %eq3A_627 : i32 to vector<16xi32>
      %eq3A_629 = arith.cmpi eq, %iota3A, %eq3A_628 : vector<16xi32>
      %reduce_sum3A_630 = arith.constant true
      %reduce_sum3A_631 = vector.broadcast %reduce_sum3A_630 : i1 to vector<16xi1>
      %reduce_sum3A_632 = tpu.scan <sum>, %add3A_626 masked %reduce_sum3A_631 : vector<16xf32>, vector<16xi1> -> vector<16xf32>
      %reduce_sum3A_633 = vector.extract %reduce_sum3A_632[15] : f32 from vector<16xf32>
      %broadcast_in_dim3A_634 = vector.broadcast %reduce_sum3A_633 : f32 to vector<16xf32>
      %select_n3A_635 = arith.select %eq3A_629, %broadcast_in_dim3A_634, %select_n3A_591 : vector<16xi1>, vector<16xf32>
      %mul3A_636 = arith.constant 16 : i32
      %mul3A_637 = arith.muli %scan3A_22, %mul3A_636 : i32
      %add3A_638 = arith.constant 14 : i32
      %add3A_639 = arith.addi %mul3A_637, %add3A_638 : i32
      %get3A_640 = arith.index_cast %add3A_639 : i32 to index
      %get3A_641 = arith.constant 0 : index
      %get3A_642 = tpu.vector_load %arg7[%get3A_640, %get3A_641] {strides = array<i32>} : memref<512x64xf32, #tpu.memory_space<vmem>>, vector<16xf32>,
      %get3A_643 = arith.index_cast %add3A_639 : i32 to index
      %get3A_644 = arith.constant 0 : index
      %get3A_645 = tpu.vector_load %arg8[%get3A_643, %get3A_644] {strides = array<i32>} : memref<512x64xf32, #tpu.memory_space<vmem>>, vector<16xf32>,
      %mul3A_646 = arith.mulf %get3A_642, %get3A_645 : vector<16xf32>
      %get3A_647 = arith.index_cast %add3A_639 : i32 to index
      %get3A_648 = arith.constant 16 : index
      %get3A_649 = tpu.vector_load %arg7[%get3A_647, %get3A_648] {strides = array<i32>} : memref<512x64xf32, #tpu.memory_space<vmem>>, vector<16xf32>,
      %get3A_650 = arith.index_cast %add3A_639 : i32 to index
      %get3A_651 = arith.constant 16 : index
      %get3A_652 = tpu.vector_load %arg8[%get3A_650, %get3A_651] {strides = array<i32>} : memref<512x64xf32, #tpu.memory_space<vmem>>, vector<16xf32>,
      %mul3A_653 = arith.mulf %get3A_649, %get3A_652 : vector<16xf32>
      %get3A_654 = arith.index_cast %add3A_639 : i32 to index
      %get3A_655 = arith.constant 32 : index
      %get3A_656 = tpu.vector_load %arg7[%get3A_654, %get3A_655] {strides = array<i32>} : memref<512x64xf32, #tpu.memory_space<vmem>>, vector<16xf32>,
      %get3A_657 = arith.index_cast %add3A_639 : i32 to index
      %get3A_658 = arith.constant 32 : index
      %get3A_659 = tpu.vector_load %arg8[%get3A_657, %get3A_658] {strides = array<i32>} : memref<512x64xf32, #tpu.memory_space<vmem>>, vector<16xf32>,
      %mul3A_660 = arith.mulf %get3A_656, %get3A_659 : vector<16xf32>
      %get3A_661 = arith.index_cast %add3A_639 : i32 to index
      %get3A_662 = arith.constant 48 : index
      %get3A_663 = tpu.vector_load %arg7[%get3A_661, %get3A_662] {strides = array<i32>} : memref<512x64xf32, #tpu.memory_space<vmem>>, vector<16xf32>,
      %get3A_664 = arith.index_cast %add3A_639 : i32 to index
      %get3A_665 = arith.constant 48 : index
      %get3A_666 = tpu.vector_load %arg8[%get3A_664, %get3A_665] {strides = array<i32>} : memref<512x64xf32, #tpu.memory_space<vmem>>, vector<16xf32>,
      %mul3A_667 = arith.mulf %get3A_663, %get3A_666 : vector<16xf32>
      %add3A_668 = arith.addf %mul3A_646, %mul3A_653 : vector<16xf32>
      %add3A_669 = arith.addf %mul3A_660, %mul3A_667 : vector<16xf32>
      %add3A_670 = arith.addf %add3A_668, %add3A_669 : vector<16xf32>
      %eq3A_671 = arith.constant 14 : i32
      %eq3A_672 = vector.broadcast %eq3A_671 : i32 to vector<16xi32>
      %eq3A_673 = arith.cmpi eq, %iota3A, %eq3A_672 : vector<16xi32>
      %reduce_sum3A_674 = arith.constant true
      %reduce_sum3A_675 = vector.broadcast %reduce_sum3A_674 : i1 to vector<16xi1>
      %reduce_sum3A_676 = tpu.scan <sum>, %add3A_670 masked %reduce_sum3A_675 : vector<16xf32>, vector<16xi1> -> vector<16xf32>
      %reduce_sum3A_677 = vector.extract %reduce_sum3A_676[15] : f32 from vector<16xf32>
      %broadcast_in_dim3A_678 = vector.broadcast %reduce_sum3A_677 : f32 to vector<16xf32>
      %select_n3A_679 = arith.select %eq3A_673, %broadcast_in_dim3A_678, %select_n3A_635 : vector<16xi1>, vector<16xf32>
      %mul3A_680 = arith.constant 16 : i32
      %mul3A_681 = arith.muli %scan3A_22, %mul3A_680 : i32
      %add3A_682 = arith.constant 15 : i32
      %add3A_683 = arith.addi %mul3A_681, %add3A_682 : i32
      %get3A_684 = arith.index_cast %add3A_683 : i32 to index
      %get3A_685 = arith.constant 0 : index
      %get3A_686 = tpu.vector_load %arg7[%get3A_684, %get3A_685] {strides = array<i32>} : memref<512x64xf32, #tpu.memory_space<vmem>>, vector<16xf32>,
      %get3A_687 = arith.index_cast %add3A_683 : i32 to index
      %get3A_688 = arith.constant 0 : index
      %get3A_689 = tpu.vector_load %arg8[%get3A_687, %get3A_688] {strides = array<i32>} : memref<512x64xf32, #tpu.memory_space<vmem>>, vector<16xf32>,
      %mul3A_690 = arith.mulf %get3A_686, %get3A_689 : vector<16xf32>
      %get3A_691 = arith.index_cast %add3A_683 : i32 to index
      %get3A_692 = arith.constant 16 : index
      %get3A_693 = tpu.vector_load %arg7[%get3A_691, %get3A_692] {strides = array<i32>} : memref<512x64xf32, #tpu.memory_space<vmem>>, vector<16xf32>,
      %get3A_694 = arith.index_cast %add3A_683 : i32 to index
      %get3A_695 = arith.constant 16 : index
      %get3A_696 = tpu.vector_load %arg8[%get3A_694, %get3A_695] {strides = array<i32>} : memref<512x64xf32, #tpu.memory_space<vmem>>, vector<16xf32>,
      %mul3A_697 = arith.mulf %get3A_693, %get3A_696 : vector<16xf32>
      %get3A_698 = arith.index_cast %add3A_683 : i32 to index
      %get3A_699 = arith.constant 32 : index
      %get3A_700 = tpu.vector_load %arg7[%get3A_698, %get3A_699] {strides = array<i32>} : memref<512x64xf32, #tpu.memory_space<vmem>>, vector<16xf32>,
      %get3A_701 = arith.index_cast %add3A_683 : i32 to index
      %get3A_702 = arith.constant 32 : index
      %get3A_703 = tpu.vector_load %arg8[%get3A_701, %get3A_702] {strides = array<i32>} : memref<512x64xf32, #tpu.memory_space<vmem>>, vector<16xf32>,
      %mul3A_704 = arith.mulf %get3A_700, %get3A_703 : vector<16xf32>
      %get3A_705 = arith.index_cast %add3A_683 : i32 to index
      %get3A_706 = arith.constant 48 : index
      %get3A_707 = tpu.vector_load %arg7[%get3A_705, %get3A_706] {strides = array<i32>} : memref<512x64xf32, #tpu.memory_space<vmem>>, vector<16xf32>,
      %get3A_708 = arith.index_cast %add3A_683 : i32 to index
      %get3A_709 = arith.constant 48 : index
      %get3A_710 = tpu.vector_load %arg8[%get3A_708, %get3A_709] {strides = array<i32>} : memref<512x64xf32, #tpu.memory_space<vmem>>, vector<16xf32>,
      %mul3A_711 = arith.mulf %get3A_707, %get3A_710 : vector<16xf32>
      %add3A_712 = arith.addf %mul3A_690, %mul3A_697 : vector<16xf32>
      %add3A_713 = arith.addf %mul3A_704, %mul3A_711 : vector<16xf32>
      %add3A_714 = arith.addf %add3A_712, %add3A_713 : vector<16xf32>
      %eq3A_715 = arith.constant 15 : i32
      %eq3A_716 = vector.broadcast %eq3A_715 : i32 to vector<16xi32>
      %eq3A_717 = arith.cmpi eq, %iota3A, %eq3A_716 : vector<16xi32>
      %reduce_sum3A_718 = arith.constant true
      %reduce_sum3A_719 = vector.broadcast %reduce_sum3A_718 : i1 to vector<16xi1>
      %reduce_sum3A_720 = tpu.scan <sum>, %add3A_714 masked %reduce_sum3A_719 : vector<16xf32>, vector<16xi1> -> vector<16xf32>
      %reduce_sum3A_721 = vector.extract %reduce_sum3A_720[15] : f32 from vector<16xf32>
      %broadcast_in_dim3A_722 = vector.broadcast %reduce_sum3A_721 : f32 to vector<16xf32>
      %select_n3A_723 = arith.select %eq3A_717, %broadcast_in_dim3A_722, %select_n3A_679 : vector<16xi1>, vector<16xf32>
      %mul3A_724 = arith.constant 16 : i32
      %mul3A_725 = arith.muli %scan3A_22, %mul3A_724 : i32
      %get3A_726 = arith.index_cast %mul3A_725 : i32 to index
      %get3A_727 = tpu.vector_load %arg9[%get3A_726] {strides = array<i32>} : memref<512xf32, #tpu.memory_space<vmem>>, vector<16xf32>,
      %add3A_728 = arith.addf %select_n3A_723, %get3A_727 : vector<16xf32>
      %get3A_729 = arith.index_cast %mul3A_725 : i32 to index
      %get3A_730 = tpu.vector_load %arg10[%get3A_729] {strides = array<i32>} : memref<512xf32, #tpu.memory_space<vmem>>, vector<16xf32>,
      %add3A_731 = arith.addf %add3A_728, %get3A_730 : vector<16xf32>
      %swap3A = arith.index_cast %mul3A_725 : i32 to index
      %swap3A_732 = tpu.vector_load %arg11[%swap3A] {strides = array<i32>} : memref<512xf32, #tpu.memory_space<vmem>>, vector<16xf32>,
      tpu.vector_store %arg11[%swap3A], %add3A_731 {strides = array<i32>} : memref<512xf32, #tpu.memory_space<vmem>>, vector<16xf32>,
    }
    %scan3A_21 = arith.constant 32 : i32
    "tpu.region"() ({
      %run_scoped3A = tpu.sem_alloc : memref<!tpu.dma_semaphore, #tpu.memory_space<semaphore_mem>>
      %dma_start3A_22 = tpu.memref_slice %arg6[%mul3A_2] : memref<16384xf32, #tpu.memory_space<hbm>> -> memref<512xf32, #tpu.memory_space<hbm>>
      %dma_start3A_23 = tpu.memref_slice %arg6[%mul3A_2] : memref<16384xf32, #tpu.memory_space<hbm>> -> memref<512xf32, #tpu.memory_space<hbm>>
      tpu.enqueue_dma source(%arg11 : memref<512xf32, #tpu.memory_space<vmem>>) target(%dma_start3A_23 : memref<512xf32, #tpu.memory_space<hbm>>) target_semaphore(%run_scoped3A : memref<!tpu.dma_semaphore, #tpu.memory_space<semaphore_mem>>)
      %dma_wait3A_24 = tpu.memref_slice %arg6[%mul3A_2] : memref<16384xf32, #tpu.memory_space<hbm>> -> memref<512xf32, #tpu.memory_space<hbm>>
      %dma_wait3A_25 = tpu.memref_slice %arg6[%mul3A_2] : memref<16384xf32, #tpu.memory_space<hbm>> -> memref<512xf32, #tpu.memory_space<hbm>>
      tpu.wait_dma2 semaphore(%run_scoped3A : memref<!tpu.dma_semaphore, #tpu.memory_space<semaphore_mem>>) src(%arg11 : memref<512xf32, #tpu.memory_space<vmem>>) dst(%dma_wait3A_25 : memref<512xf32, #tpu.memory_space<hbm>>)
      tpu.yield
    }) : () -> ()
    return
  }
}

</mosaic_0001>

<sc_bundles>
// kernel: kernel.11.cloned.1.call-start
scs
__scs_entry_jumppad:
0x0: {  	(pc) =	sbr.rel $0x88, $3  }
0x1: {  	(tag) =	ssettag $0x0;
	lr =	simm.s32 $0x1  }
0x2: {  	[smem:$0x3F9B] =	sst lr;
	_ =	strace $0xD0000000  }
0x3: {  	_ = 	snop  }
0x4: {  	_ = 	snop  }
0x5: {  	_ = 	snop  }
0x6: {  	_ = 	snop  }
0x7: {  	_ = 	snop  }
__scs_overlays_trampoline_lowered:
0x8: {  	[smem:$0x3FAA] =	sst s0  }
0x9: {  	[smem:$0x3FAB] =	sst s1  }
0xa: {  	[smem:$0x3FAC] =	sst s2  }
0xb: {  	[smem:$0x3FAD] =	sst s3  }
0xc: {  	[smem:$0x3FAE] =	sst s4  }
0xd: {  	[smem:$0x3FAF] =	sst s5  }
0xe: {  	[smem:$0x3FB0] =	sst s6  }
0xf: {  	[smem:$0x3FB1] =	sst s7  }
0x10: {  	[smem:$0x3FB2] =	sst s8  }
0x11: {  	[smem:$0x3FB3] =	sst s9;
	s0 =	simm.s32 @!p0 $0x0  }
0x12: {  	s1 =	sld [smem:$0x3F99];
	s0 =	simm.s32 @p0 $0x1  }
0x13: {  	[smem:$0x3FB4] =	sst s0;
	s0 =	simm.s32 @!p1 $0x0  }
0x14: {  	s2 =	sld [smem:$0x3F98];
	s0 =	simm.s32 @p1 $0x1  }
0x15: {  	[smem:$0x3FB5] =	sst s0;
	s0 =	simm.s32 @!p2 $0x0  }
0x16: {  	s3 =	sld [smem:$0x3FDB];
	s0 =	simm.s32 @p2 $0x1  }
0x17: {  	s4 =	simm.s32 $0x1BF5;
	[smem:$0x3FB7] =	sst s0  }
0x18: {  	s0 =	sld [smem:$0x3F9A];
	_ =	swait.ge [sflag:s4], $0x0  }
0x19: {  	s7 =	sld [smem:$0x3F9B]  }
0x1a: {  	s8 =	sadd.s32 $0xFFFFE003, lr  }
0x1b: {  	s9 =	sadd.s32 $0xFFFFFEF7, lr;
	s5 =	simm.s32 $0xFFFFFFFF;
	p2 =	slt.u32 s8, $0xFFFFF086  }
0x1c: {  	p1 =	slt.u32 s9, $0xF7A;
	s5 =	simm.s32 @!p2 $0x0  }
0x1d: {  	s5 =	simm.s32 @p1 $0x1;
	p0 =	seq.s32 s7, s2  }
0x1e: {  	s7 =	smul.u32 @!p0 $0xF7A, s2;
	p2 =	seq.s32 @!p0 s5, $0x0  }
0x1f: {  	s9 =	smul.u32 $0xF7A, s1;
	s8 =	simm.s32 @!p0 $0x1BF5;
	p2 =	por !p2, p0  }
0x20: {  	[sflag:s8] =	ssyncset.s32 @!p0 $0xFFFFF086;
	s6 =	sadd.s32 @!p0 s3, s7;
	s7 =	simm.s32 @!p0 $0x108  }
0x21: {  	s3 =	sadd.s32 s3, s9;
	s6 =	sadd.s32 @!p0 $0x88, s6;
	s7 =	simm.s32 @p2 $0x1082  }
0x22: {  	[simem:s7], [sflag:s8] =	dma.local @!p0 [hbm:s6], $0xF7A  }
0x23: {  	s9 =	sor.u32 $0xD0000000, s2;
	s6 =	simm.s32 $0x108;
	_ =	swait.ge @!p0 [sflag:s8], $0x0  }
0x24: {  	s3 =	sadd.s32 $0x88, s3;
	s6 =	simm.s32 @!p1 $0x1082;
	[sflag:s4] =	ssyncset.s32 $0xFFFFF086  }
0x25: {  	[simem:s6], [sflag:s4] =	dma.local [hbm:s3], $0xF7A  }
0x26: {  	[smem:$0x3F9B] =	sst s1;
	(tag) =	ssettag s2;
	_ =	strace s9  }
0x27: {  	s1 =	sld [smem:$0x3FAB]  }
0x28: {  	s2 =	sld [smem:$0x3FAC]  }
0x29: {  	s4 =	sld [smem:$0x3FAE]  }
0x2a: {  	p0 =	seq.s32 s5, $0x0;
	s5 =	sld [smem:$0x3FAF]  }
0x2b: {  	s6 =	sld [smem:$0x3FB0]  }
0x2c: {  	s7 =	sld [smem:$0x3FB1]  }
0x2d: {  	s3 =	simm.s32 $0x108;
	s8 =	sld [smem:$0x3FB2]  }
0x2e: {  	s3 =	simm.s32 @!p0 $0x1082;
	s9 =	sld [smem:$0x3FB3]  }
0x2f: {  	lr =	sadd.s32 s0, s3;
	s0 =	sld [smem:$0x3FAA]  }
0x30: {  	s3 =	sld [smem:$0x3FAD]  }
0x31: {  	[smem:$0x3FB6] =	sst s10  }
0x32: {  	s10 =	sld [smem:$0x3FB4];
	_ =	sdelay $0x3  }
0x33: {  	p0 =	seq.s32 s10, $0x1;
	s10 =	sld [smem:$0x3FB6];
	_ =	sdelay $0x3  }
0x34: {  	[smem:$0x3FB6] =	sst s10  }
0x35: {  	s10 =	sld [smem:$0x3FB5];
	_ =	sdelay $0x3  }
0x36: {  	p1 =	seq.s32 s10, $0x1;
	s10 =	sld [smem:$0x3FB6];
	_ =	sdelay $0x3  }
0x37: {  	[smem:$0x3FB6] =	sst s10  }
0x38: {  	s10 =	sld [smem:$0x3FB7]  }
0x39: {  	_ = 	snop;
	(pc) =	sbr.ind lr, $3  }
0x3a: {  	_ = 	snop  }
0x3b: {  	_ = 	snop  }
0x3c: {  	p2 =	seq.s32 s10, $0x1;
	s10 =	sld [smem:$0x3FB6]  }
0x3d: {  	_ =	shalt  }
0x3e: {  	_ =	shalt  }
0x3f: {  	_ =	shalt  }
0x40: {  	_ =	shalt  }
0x41: {  	_ =	shalt  }
0x42: {  	_ =	shalt  }
0x43: {  	_ =	shalt  }
0x44: {  	_ =	shalt  }
0x45: {  	_ =	shalt  }
0x46: {  	_ =	shalt  }
0x47: {  	_ =	shalt  }
0x48: {  	_ =	shalt  }
0x49: {  	_ =	shalt  }
0x4a: {  	_ =	shalt  }
0x4b: {  	_ =	shalt  }
0x4c: {  	_ =	shalt  }
0x4d: {  	_ =	shalt  }
0x4e: {  	_ =	shalt  }
0x4f: {  	_ =	shalt  }
0x50: {  	_ =	shalt  }
0x51: {  	_ =	shalt  }
0x52: {  	_ =	shalt  }
0x53: {  	_ =	shalt  }
0x54: {  	_ =	shalt  }
0x55: {  	_ =	shalt  }
0x56: {  	_ =	shalt  }
0x57: {  	_ =	shalt  }
0x58: {  	_ =	shalt  }
0x59: {  	_ =	shalt  }
0x5a: {  	_ =	shalt  }
0x5b: {  	_ =	shalt  }
0x5c: {  	_ =	shalt  }
0x5d: {  	_ =	shalt  }
0x5e: {  	_ =	shalt  }
0x5f: {  	_ =	shalt  }
0x60: {  	_ =	shalt  }
0x61: {  	_ =	shalt  }
0x62: {  	_ =	shalt  }
0x63: {  	_ =	shalt  }
0x64: {  	_ =	shalt  }
0x65: {  	_ =	shalt  }
0x66: {  	_ =	shalt  }
0x67: {  	_ =	shalt  }
0x68: {  	_ =	shalt  }
0x69: {  	_ =	shalt  }
0x6a: {  	_ =	shalt  }
0x6b: {  	_ =	shalt  }
0x6c: {  	_ =	shalt  }
0x6d: {  	_ =	shalt  }
0x6e: {  	_ =	shalt  }
0x6f: {  	_ =	shalt  }
0x70: {  	_ =	shalt  }
0x71: {  	_ =	shalt  }
0x72: {  	_ =	shalt  }
0x73: {  	_ =	shalt  }
0x74: {  	_ =	shalt  }
0x75: {  	_ =	shalt  }
0x76: {  	_ =	shalt  }
0x77: {  	_ =	shalt  }
0x78: {  	_ =	shalt  }
0x79: {  	_ =	shalt  }
0x7a: {  	_ =	shalt  }
0x7b: {  	_ =	shalt  }
0x7c: {  	_ =	shalt  }
0x7d: {  	_ =	shalt  }
0x7e: {  	_ =	shalt  }
0x7f: {  	_ =	shalt  }
0x80: {  	_ =	shalt  }
0x81: {  	_ =	shalt  }
0x82: {  	_ =	shalt  }
0x83: {  	_ =	shalt  }
0x84: {  	_ =	shalt  }
0x85: {  	_ =	shalt  }
0x86: {  	_ =	shalt  }
0x87: {  	_ =	shalt  }
.Lfunc_end0:
.L_simem_size_0:
called_computation.2_lowered:
.L_overlay_start_0:
0x88: {  	s2 =	sld [smem:$0x3FD9]  }
0x89: {  	s3 =	sld [smem:$0x3FFE];
	_ =	sdelay $0x1  }
0x8a: {  	s1 =	srdreg.scid  }
0x8b: {  	s0 =	sand.u32 $0x1, s1  }
0x8c: {  	s17 =	sshll.u32 s0, $0xA;
	s2 =	sadd.s32 s3, s2  }
0x8d: {  	s2 =	sadd.s32 s2, s17  }
0x8e: {  	[smem:$0x3FC2] =	sst s2  }
0x8f: {  	_ = 	snop  }
0x90: {  	s2 =	sld [smem:$0x3FD0];
	(tm) =	ssettm $0x1  }
0x91: {  	s18 =	sld [smem:$0x3FFB];
	_ =	sdelay $0x3  }
0x92: {  	_ =	strace s18  }
0x93: {  	s3 =	sld [smem:$0x3FFC];
	_ =	sdelay $0x3  }
0x94: {  	_ =	strace s3  }
0x95: {  	s3 =	sld [smem:$0x3FFD];
	_ =	sdelay $0x3  }
0x96: {  	_ =	strace s3  }
0x97: {  	_ =	strace $0x8FFFFFFF  }
0x98: {  	s19 =	sld [smem:$0x3FDB];
	_ =	sdelay $0x1  }
0x99: {  	s4 =	simm.s32 $_scs_section_size  }
0x9a: {  	s5 =	simm.s32 $_size__tile_overlayer_lowered;
	s6 =	simm.s32 $_tile_overlayer_lowered  }
0x9b: {  	s22 =	simm.s32 $0x1BFF;
	s21 =	sshll.u32 s6, $0x1;
	s3 =	sadd.s32 s4, s19  }
0x9c: {  	s7 =	simm.s32 $0x0;
	s20 =	sshll.u32 s5, $0x1;
	s5 =	sadd.s32 s21, s3  }
0x9d: {  	[timem:s7], [sflag:s22] =	dma.local [hbm:s5], s20  }
0x9e: {  	_ =	swait.ge [sflag:s22], s20  }
0x9f: {  	s4 =	ssub.s32 $0x0, s20;
	[sflag:s22] =	ssyncset.done $0x0  }
0xa0: {  	[sflag:s22] =	ssyncadd.s32 s4;
	_ =	sdelay $0x1  }
0xa1: {  	s23 =	simm.s32 $0x1B8B  }
0xa2: {  	_ =	swait.ge [sflag:s23], $0x1  }
0xa3: {  	[sflag:s23] =	ssyncset.done $0x0  }
0xa4: {  	s25 =	simm.s32 $0x1B8E;
	s24 =	sld [smem:$0x3FFE];
	[sflag:s23] =	ssyncadd.s32 $0xFFFFFFFF  }
0xa5: {  	s26 =	simm.s32 $execute0_lowered;
	[smem:$0x3FD2] =	sst s25  }
0xa6: {  	s5 =	sshll.u32 s26, $0x1;
	_ =	strace $0x8000004C;
	[dreg:$0x1] =	wrdreg $0xFFFFFFFF  }
0xa7: {  	s28 =	simm.s32 $_size_execute0_lowered;
	s3 =	sadd.s32 s3, s5;
	[dreg:$0x0] =	wrdreg $0x0  }
0xa8: {  	s5 =	sshll.u32 s28, $0x1;
	[dreg:$0x2] =	wrdreg s3  }
0xa9: {  	[dreg:$0x3] =	wrdreg s5  }
0xaa: {  	[dreg:$0x4] =	wrdreg $0xC0  }
0xab: {  	_ =	task [dreg:s7], $0x5FFFF  }
0xac: {  	[dreg:$0x1] =	wrdreg $0xFFFFFFFF  }
0xad: {  	[dreg:$0x0] =	wrdreg $0x60  }
0xae: {  	[dreg:$0x2] =	wrdreg s24  }
0xaf: {  	[dreg:$0x3] =	wrdreg s2  }
0xb0: {  	[dreg:$0x4] =	wrdreg $0x9  }
0xb1: {  	_ =	task.clear_ibuf [dreg:s7], $0x5FFFF;
	_ =	strace $0x9000004C  }
0xb2: {  	s29 =	simm.s32 $0x9;
	_ =	strace $0x8000004E  }
0xb3: {  	_ =	swait.ge [sflag:s29], $0x1  }
0xb4: {  	[sflag:s29] =	ssyncadd.s32 $0xFFFFFFFF  }
0xb5: {  	_ =	strace $0x9000004E  }
0xb6: {  	_ =	sfence  }
0xb7: {  	s30 =	sld [smem:$0x0];
	_ =	sdelay $0x2  }
0xb8: {  	s31 =	sshll.u32 s1, $0xD;
	s1 =	sshrl.u32 s1, $0x2  }
0xb9: {  	s3 =	sand.u32 $0x4000, s31;
	s1 =	sadd.s32 s1, s30  }
0xba: {  	s0 =	sor.u32 s3, s0;
	s1 =	sshll.u32 s1, $0x11  }
0xbb: {  	s0 =	sor.u32 s1, s0  }
0xbc: {  	s0 =	sadd.s32 $0x8F2B, s0  }
0xbd: {  	[sflag:s0] =	ssyncadd.remote.s32 $0x1  }
0xbe: {  	_ =	sfence.sel $0xFFFF  }
0xbf: {  	[dreg:$0x0] =	wrdreg $0xFFFFFFFF;
	(pc) =	sbr.abs _section_cstart, $3  }
0xc0: {  	[dreg:$0x1] =	wrdreg $0xFFFFFFFF  }
0xc1: {  	_ =	task.clear_ibuf [dreg:s7], $0x2FFFF;
	_ =	strace $0x9FFFFFFF  }
0xc2: {  	(tm) =	ssettm $0x7FFFFFFF  }
0xc3: {  	_ =	shalt  }
tec
execute0_lowered:
.L_overlay_start_1:
0x0: {  	(tag) =	ssettag $0x1  }
0x1: {  	s3 =	rddreg [dreg:$0x0]  }
0x2: {  	s7 =	rddreg [dreg:$0x1]  }
0x3: {  	s0 =	rddreg [dreg:$0x2]  }
0x4: {  	s4 =	srdreg.scid;
	s2 =	simm.s32 $0x0;
	s1 =	stileid.u32  }
0x5: {  	s10 =	simm.s32 $0x10000;
	s11 =	simm.s32 $0x3;
	s12 =	simm.s32 $0x10200  }
0x6: {  	s13 =	simm.s32 $0x1;
	s14 =	simm.s32 $0x2;
	s15 =	simm.s32 $0x10400  }
0x7: {  	s16 =	simm.s32 $0x0;
	s4 =	sand.u32 $0x1, s4;
	[smem:$0x7FF] =	sst s2  }
0x8: {  	s5 =	sshll.u32 s1, $0xA;
	s6 =	sshll.u32 s4, $0x9;
	s4 =	ssub.s32 $0x2, s4  }
0x9: {  	vm0 =	vmmov $0x1;
	vm1 =	vmmov $0x3;
	vm2 =	vmmov $0x7;
	_ =	strace $0x8000004D;
	s5 =	sor.u32 s6, s5;
	s31 =	sshrl.u32 s4, $0x1  }
0xa: {  	vm3 =	vmmov $0xf;
	vm4 =	vmmov $0x1f;
	vm5 =	vmmov $0x3f;
	s6 =	sshll.u32 s5, $0x3;
	s8 =	sshrl.u32 s5, $0x3;
	s9 =	ssub.s32 s4, s31  }
0xb: {  	vm6 =	vmmov $0x7f;
	vm7 =	vmmov $0xff;
	vm8 =	vmmov $0x1ff;
	s29 =	sadd.s32 s6, s3;
	s30 =	sadd.s32 s8, s3;
	s7 =	sadd.s32 s7, s8  }
0xc: {  	vm9 =	vmmov $0x3ff;
	vm10 =	vmmov $0x7ff;
	vm11 =	vmmov $0xfff;
	s8 =	smax.u32 s9, $0x1;
	s9 =	simm.s32 $0x8000;
	s3 =	sadd.s32 $0x1FA00, s29  }
0xd: {  	vm12 =	vmmov $0x1fff;
	vm13 =	vmmov $0x3fff;
	vm14 =	vmmov $0x7fff;
	s4 =	sadd.s32 $0x43400, s29;
	s5 =	sadd.s32 $0x3FA00, s30;
	s6 =	sadd.s32 $0x63400, s30  }
.LBB2_1:
0xe: {  	[tilespmem:s2], [sflag:$0x1] =	stream.linear.gather [hbm4b:s3+s2], $0x8000, $0x38;
	[tilespmem:$0x10600] =	vst v63  }
0xf: {  	_ = 	snop  }
0x10: {  	[tilespmem:s9], [sflag:$0x2] =	stream.linear.gather [hbm4b:s4+s2], $0x8000, $0x38;
	[tilespmem:$0x10600] =	vst v63  }
0x11: {  	_ = 	snop  }
0x12: {  	[tilespmem:s10], [sflag:$0x3] =	stream.linear.gather [hbm4b:s5+s2], $0x200, $0x38;
	[tilespmem:$0x10600] =	vst v63  }
0x13: {  	_ =	swait.ge [sflag:s11], $0x200  }
0x14: {  	[sflag:s11] =	ssyncset.done $0x0  }
0x15: {  	[sflag:s11] =	ssyncadd.s32 $0xFFFFFE00  }
0x16: {  	[tilespmem:s12], [sflag:$0x3] =	stream.linear.gather [hbm4b:s6+s2], $0x200, $0x38;
	[tilespmem:$0x10600] =	vst v63  }
0x17: {  	_ =	swait.ge [sflag:s11], $0x200  }
0x18: {  	[sflag:s11] =	ssyncset.done $0x0  }
0x19: {  	[sflag:s11] =	ssyncadd.s32 $0xFFFFFE00  }
0x1a: {  	_ =	swait.ge [sflag:s13], $0x8000  }
0x1b: {  	[sflag:s13] =	ssyncset.done $0x0  }
0x1c: {  	[sflag:s13] =	ssyncadd.s32 $0xFFFF8000  }
0x1d: {  	_ =	swait.ge [sflag:s14], $0x8000  }
0x1e: {  	[sflag:s14] =	ssyncset.done $0x0  }
0x1f: {  	s18 =	simm.s32 $0x200;
	[sflag:s14] =	ssyncadd.s32 $0xFFFF8000  }
0x20: {  	s17 =	simm.s32 $0x8200;
	v19 =	vld [tilespmem:s18+$0x1C0]  }
0x21: {  	v0 =	vld [tilespmem:s17+$0x1C0]  }
0x22: {  	v55 =	vld [tilespmem:s18+$0x1D0]  }
0x23: {  	v56 =	vld [tilespmem:s17+$0x1D0]  }
0x24: {  	v1 =	vld [tilespmem:s18+$0x180]  }
0x25: {  	v2 =	vld [tilespmem:s17+$0x180]  }
0x26: {  	v3 =	vld [tilespmem:s18+$0x190]  }
0x27: {  	v5 =	vld [tilespmem:s17+$0x190]  }
0x28: {  	v4 =	vld [tilespmem:s18+$0x1A0]  }
0x29: {  	v6 =	vld [tilespmem:s17+$0x1A0]  }
0x2a: {  	v7 =	vld [tilespmem:s18+$0x1B0]  }
0x2b: {  	v10 =	vld [tilespmem:s17+$0x1B0]  }
0x2c: {  	v57 =	vld [tilespmem:s18+$0x140]  }
0x2d: {  	v58 =	vld [tilespmem:s17+$0x140]  }
0x2e: {  	v59 =	vld [tilespmem:s18+$0x150]  }
0x2f: {  	v60 =	vld [tilespmem:s17+$0x150]  }
0x30: {  	v61 =	vld [tilespmem:s18+$0x160]  }
0x31: {  	v41 =	vld [tilespmem:s18+$0x100]  }
0x32: {  	v32 =	vld [tilespmem:s17+$0x100]  }
0x33: {  	v34 =	vld [tilespmem:s18+$0x110]  }
0x34: {  	v35 =	vld [tilespmem:s17+$0x110]  }
0x35: {  	v42 =	vld [tilespmem:s18+$0x120]  }
0x36: {  	v37 =	vld [tilespmem:s17+$0x120]  }
0x37: {  	v30 =	vld [tilespmem:s18+$0x130]  }
0x38: {  	v28 =	vld [tilespmem:s17+$0x130]  }
0x39: {  	v62 =	vld [tilespmem:s18+$0xC0]  }
0x3a: {  	v63 =	vld [tilespmem:s17+$0xC0]  }
0x3b: {  	v31 =	vld [tilespmem:s18+$0xD0]  }
0x3c: {  	v29 =	vld [tilespmem:s17+$0xD0]  }
0x3d: {  	v8 =	vld [tilespmem:s18+$0xE0]  }
0x3e: {  	v47 =	vld [tilespmem:s17+$0xF0]  }
0x3f: {  	v9 =	vld [tilespmem:s18+$0x80]  }
0x40: {  	v11 =	vld [tilespmem:s17+$0x80]  }
0x41: {  	v33 =	vld [tilespmem:s18+$0x90]  }
0x42: {  	v36 =	vld [tilespmem:s17+$0x90]  }
0x43: {  	v38 =	vld [tilespmem:s18+$0xA0]  }
0x44: {  	v48 =	vld [tilespmem:s18+$0x40]  }
0x45: {  	v49 =	vld [tilespmem:s17+$0x40]  }
0x46: {  	v50 =	vld [tilespmem:s18+$0x50]  }
0x47: {  	v51 =	vld [tilespmem:s17+$0x50]  }
0x48: {  	v52 =	vld [tilespmem:s18+$0x60]  }
0x49: {  	v53 =	vld [tilespmem:s17+$0x60]  }
0x4a: {  	v54 =	vld [tilespmem:s18+$0x70]  }
0x4b: {  	v12 =	vld [tilespmem:s18+$0x10]  }
0x4c: {  	v39 =	vld [tilespmem:s17+$0x10]  }
0x4d: {  	v24 =	vld [tilespmem:s17+$0x20]  }
0x4e: {  	v40 =	vld [tilespmem:s18+$0x30]  }
0x4f: {  	v43 =	vld [tilespmem:s17+$0x30]  }
0x50: {  	v17 =	vld [tilespmem:s18+$0xFFFFFFC0]  }
0x51: {  	v18 =	vld [tilespmem:s17+$0xFFFFFFC0]  }
0x52: {  	v14 =	vld [tilespmem:s18+$0xFFFFFFD0]  }
0x53: {  	v16 =	vld [tilespmem:s17+$0xFFFFFFD0]  }
0x54: {  	v15 =	vld [tilespmem:s18+$0xFFFFFFE0]  }
0x55: {  	v44 =	vld [tilespmem:s18+$0xFFFFFF80]  }
0x56: {  	v45 =	vld [tilespmem:s18+$0xFFFFFFA0]  }
0x57: {  	v46 =	vld [tilespmem:s17+$0xFFFFFFA0]  }
0x58: {  	v13 =	vld [tilespmem:s18+$0xFFFFFF00]  }
0x59: {  	v23 =	vld [tilespmem:s17+$0xFFFFFF00]  }
0x5a: {  	v21 =	vld [tilespmem:s18+$0xFFFFFF10]  }
0x5b: {  	v22 =	vld [tilespmem:s17+$0xFFFFFF10]  }
0x5c: {  	v20 =	vld [tilespmem:s18+$0xFFFFFF20]  }
0x5d: {  	[tilespmem:$0x1FE90] =	vst v61;
	v61 =	vld [tilespmem:s17+$0xE0]  }
0x5e: {  	[tilespmem:$0x1FEF0] =	vst v62;
	v62 =	vld [tilespmem:s18+$0xF0]  }
0x5f: {  	[tilespmem:$0x1FE30] =	vst v55;
	v55 =	vld [tilespmem:s17+$0x70]  }
0x60: {  	[tilespmem:$0x1FF10] =	vst v8;
	v8 =	vld [tilespmem:s18+$0x0]  }
0x61: {  	[tilespmem:$0x1FEB0] =	vst v11;
	v11 =	vld [tilespmem:s17+$0x0]  }
0x62: {  	[tilespmem:$0x1FEA0] =	vst v9;
	v9 =	vld [tilespmem:s18+$0x20]  }
0x63: {  	[tilespmem:$0x1FF00] =	vst v63;
	v63 =	vld [tilespmem:s17+$0xFFFFFF80]  }
0x64: {  	[tilespmem:$0x1FE80] =	vst v60;
	v60 =	vld [tilespmem:s18+$0xFFFFFF90]  }
0x65: {  	[tilespmem:$0x1FEC0] =	vst v33;
	v33 =	vld [tilespmem:s17+$0xFFFFFF90]  }
0x66: {  	[tilespmem:$0x1FE40] =	vst v56;
	v56 =	vld [tilespmem:s18+$0xFFFFFFB0]  }
0x67: {  	[tilespmem:$0x1FE50] =	vst v57;
	v57 =	vld [tilespmem:s17+$0xFFFFFFB0]  }
0x68: {  	[tilespmem:$0x1FE60] =	vst v58;
	v58 =	vld [tilespmem:s18+$0xFFFFFF40]  }
0x69: {  	[tilespmem:$0x1FE70] =	vst v59;
	v59 =	vld [tilespmem:s17+$0xFFFFFF40]  }
0x6a: {  	[tilespmem:$0x1FED0] =	vst v36;
	v36 =	vld [tilespmem:s18+$0xFFFFFF50]  }
0x6b: {  	[tilespmem:$0x1FEE0] =	vst v38;
	v38 =	vld [tilespmem:s18+$0xFFFFFF60]  }
0x6c: {  	[tilespmem:$0x1FF20] =	vst v39;
	v39 =	vld [tilespmem:s17+$0xFFFFFF60]  }
0x6d: {  	[tilespmem:$0x1FF30] =	vst v40;
	v40 =	vld [tilespmem:s18+$0xFFFFFF70]  }
0x6e: {  	[tilespmem:$0x1FF50] =	vst v44;
	v44 =	vld [tilespmem:s18+$0xFFFFFED0]  }
0x6f: {  	[tilespmem:$0x1FF60] =	vst v45;
	v45 =	vld [tilespmem:s18+$0xFFFFFEF0]  }
0x70: {  	[tilespmem:$0x1FF40] =	vst v43;
	v43 =	vmul.f32 v5, v3;
	v3 =	vld [tilespmem:s18+$0xFFFFFE80]  }
0x71: {  	[tilespmem:$0x1FF70] =	vst v46;
	v46 =	vld [tilespmem:s17+$0xFFFFFE80]  }
0x72: {  	v27 =	vmul.f32 v6, v4;
	v6 =	vmul.f32 v49, v48;
	v48 =	vld [tilespmem:s18+$0xFFFFFEB0]  }
0x73: {  	v49 =	vld [tilespmem:s17+$0xFFFFFEB0]  }
0x74: {  	v26 =	vmul.f32 v10, v7;
	v10 =	vmul.f32 v35, v34;
	v34 =	vld [tilespmem:s18+$0xFFFFFE30]  }
0x75: {  	v35 =	vld [tilespmem:s18+$0xFFFFFE40]  }
0x76: {  	v4 =	vld [tilespmem:$0x1FF00]  }
0x77: {  	v25 =	vmul.f32 v2, v1;
	v5 =	vld [tilespmem:$0x1FF10]  }
0x78: {  	v7 =	vmul.f32 v51, v50;
	v50 =	vld [tilespmem:$0x1FF20]  }
0x79: {  	[tilespmem:$0x1FE20] =	vst v0;
	v0 =	vadd.f32 v43, v25;
	v43 =	vld [tilespmem:s18+$0xFFFFFE90]  }
0x7a: {  	v25 =	vmul.f32 v32, v41;
	v41 =	vld [tilespmem:s17+$0xFFFFFE90]  }
0x7b: {  	v28 =	vmul.f32 v28, v30;
	v26 =	vadd.f32 v26, v27;
	v27 =	vmul.f32 v37, v42;
	v42 =	vld [tilespmem:$0x1FEF0]  }
0x7c: {  	v32 =	vld [tilespmem:s18+$0xFFFFFE20]  }
0x7d: {  	v27 =	vadd.f32 v28, v27;
	v28 =	vld [tilespmem:s17+$0xFFFFFE00]  }
0x7e: {  	[tilespmem:$0x1FFC0] =	vst v36;
	v36 =	vld [tilespmem:s17+$0xFFFFFF50]  }
0x7f: {  	[tilespmem:$0x1FFB0] =	vst v59;
	v59 =	vld [tilespmem:s17+$0xFFFFFF70]  }
0x80: {  	[tilespmem:$0x1FF80] =	vst v56;
	v56 =	vld [tilespmem:s18+$0xFFFFFEC0]  }
0x81: {  	[tilespmem:$0x1FFE0] =	vst v39;
	v39 =	vld [tilespmem:s17+$0xFFFFFEC0]  }
0x82: {  	[tilespmem:$0x1FFD0] =	vst v38;
	v38 =	vld [tilespmem:s17+$0xFFFFFED0]  }
0x83: {  	[tilespmem:$0x1FFA0] =	vst v58;
	v58 =	vld [tilespmem:s18+$0xFFFFFEE0]  }
0x84: {  	[tilespmem:$0x1FF90] =	vst v57;
	v57 =	vld [tilespmem:s17+$0xFFFFFEE0]  }
0x85: {  	[tilespmem:$0x1FFF0] =	vst v40;
	v40 =	vld [tilespmem:s17+$0xFFFFFEF0]  }
0x86: {  	v29 =	vmul.f32 v29, v31;
	v31 =	vmul.f32 v47, v62;
	v47 =	vld [tilespmem:s17+$0xFFFFFEA0]  }
0x87: {  	v62 =	vld [tilespmem:$0x1FF60]  }
0x88: {  	v25 =	vadd.f32 v10, v25;
	v0 =	vadd.f32 v26, v0;
	v26 =	vmul.f32 v61, v5;
	v61 =	vld [tilespmem:$0x1FF50]  }
0x89: {  	v5 =	vld [tilespmem:$0x1FF80];
	v30 =	vmul.f32 v4, v42  }
0x8a: {  	v25 =	vadd.f32 v27, v25;
	v27 =	vadd.f32 v7, v6;
	v6 =	vld [tilespmem:$0x1FF90]  }
0x8b: {  	v30 =	vadd.f32 v29, v30;
	v29 =	vmul.f32 v53, v52;
	v52 =	vld [tilespmem:$0x1FF30]  }
0x8c: {  	v53 =	vld [tilespmem:$0x1FF40]  }
0x8d: {  	v10 =	vmul.f32 v55, v54;
	v51 =	vmul.f32 v24, v9;
	v9 =	vld [tilespmem:$0x1FFB0]  }
0x8e: {  	v42 =	vld [tilespmem:s18+$0xFFFFFEA0];
	v26 =	vadd.f32 v31, v26  }
0x8f: {  	(xrf2) =	vadd.scan.msk.f32 $0xffff, v0;
	v43 =	vmul.f32 v41, v43;
	v41 =	vld [tilespmem:s17+$0xFFFFFE60];
	v31 =	vadd.f32 v10, v29  }
0x90: {  	(xrf2) =	vadd.scan.msk.f32 $0xffff, v25;
	v25 =	vmul.f32 v11, v8;
	v8 =	vld [tilespmem:$0x1FFA0];
	v37 =	vadd.f32 v26, v30;
	v26 =	vmul.f32 v50, v12  }
0x91: {  	v10 =	vld [tilespmem:$0x1FFC0];
	v27 =	vadd.f32 v31, v27;
	v54 =	vmul.f32 v53, v52  }
0x92: {  	(xrf2) =	vadd.scan.msk.f32 $0xffff, v37;
	v55 =	vadd.f32 v26, v25;
	v25 =	vmul.f32 v63, v61;
	v63 =	vld [tilespmem:$0x1FF70]  }
0x93: {  	v53 =	vld [tilespmem:$0x1FFD0];
	(xrf2) =	vadd.scan.msk.f32 $0xffff, v27;
	v27 =	vadd.f32 v54, v51  }
0x94: {  	v54 =	vld [tilespmem:$0x1FFE0]  }
0x95: {  	v27 =	vadd.f32 v27, v55;
	v55 =	vld [tilespmem:$0x1FFF0]  }
0x96: {  	v44 =	vmul.f32 v38, v44;
	v38 =	vld [tilespmem:s18+$0xFFFFFE50];
	v26 =	vmul.f32 v33, v60  }
0x97: {  	v45 =	vmul.f32 v40, v45;
	v40 =	vld [tilespmem:s18+$0xFFFFFE60]  }
0x98: {  	v29 =	vld [tilespmem:s18+$0xFFFFFE00];
	v7 =	vmul.f32 v6, v5;
	v25 =	vadd.f32 v26, v25;
	v26 =	vmul.f32 v9, v8  }
0x99: {  	v30 =	vld [tilespmem:s18+$0xFFFFFE10];
	v11 =	vmul.f32 v36, v10;
	v4 =	vmul.f32 v63, v62  }
0x9a: {  	v31 =	vld [tilespmem:s17+$0xFFFFFE10];
	v0 =	vmul.f32 v54, v53;
	v59 =	vmul.f32 v59, v55  }
0x9b: {  	v33 =	vld [tilespmem:s17+$0xFFFFFE20];
	v60 =	vmul.f32 v39, v56;
	v26 =	vadd.f32 v11, v26;
	v50 =	vadd.f32 v7, v4  }
0x9c: {  	v37 =	vld [tilespmem:s17+$0xFFFFFE40];
	v61 =	vmul.f32 v57, v58;
	v54, _, _ =	vpop (xrf2);
	(xrf2) =	vadd.scan.msk.f32 $0xffff, v27;
	v27 =	vmul.f32 v46, v3;
	v52 =	vadd.f32 v59, v0  }
0x9d: {  	v39 =	vld [tilespmem:s17+$0xFFFFFE50];
	v44 =	vadd.f32 v44, v60;
	v50 =	vadd.f32 v50, v25  }
0x9e: {  	v36 =	vld [tilespmem:s17+$0xFFFFFE30];
	v63 =	vadd.f32 v45, v61;
	v25, _, _ =	vpop (xrf2);
	v62 =	vadd.f32 v52, v26  }
0x9f: {  	v46 =	vmul.f32 v47, v42;
	v42 =	vld [tilespmem:s18+$0xFFFFFE70];
	(xrf2) =	vadd.scan.msk.f32 $0xffff, v50;
	v26, _, _ =	vpop (xrf2)  }
0xa0: {  	s20 =	simm.s32 $0x40;
	s19 =	simm.s32 $0x0;
	v44 =	vadd.f32 v63, v44;
	v47 =	vmul.f32 v49, v48;
	v45 =	vadd.f32 v43, v27;
	v43 =	vld [tilespmem:s17+$0xFFFFFE70];
	v27, _, _ =	vpop (xrf2);
	(xrf2) =	vadd.scan.msk.f32 $0xffff, v62  }
.LBB2_2:
0xa1: {  	v5 =	vld [tilespmem:s18+$0xFFFFFF30]  }
0xa2: {  	v8 =	vld [tilespmem:s17+$0xFFFFFFE0]  }
0xa3: {  	v11 =	vld [tilespmem:s18+$0xFFFFFFF0]  }
0xa4: {  	v24 =	vld [tilespmem:s17+$0xFFFFFFF0]  }
0xa5: {  	v21 =	vmul.f32 v22, v21;
	v22 =	vld [tilespmem:s17+$0xA0]  }
0xa6: {  	v1 =	vld [tilespmem:$0x1FEB0]  }
0xa7: {  	v48 =	vld [tilespmem:$0x1FEE0]  }
0xa8: {  	v49 =	vld [tilespmem:$0x1FE50]  }
0xa9: {  	v50 =	vld [tilespmem:$0x1FE60]  }
0xaa: {  	v52 =	vld [tilespmem:$0x1FE70]  }
0xab: {  	v53 =	vld [tilespmem:$0x1FE80]  }
0xac: {  	v55 =	vld [tilespmem:$0x1FE90]  }
0xad: {  	v58 =	vld [tilespmem:$0x1FE20]  }
0xae: {  	v59 =	vld [tilespmem:$0x1FE30];
	v28 =	vmul.f32 v28, v29;
	v29 =	vmul.f32 v31, v30;
	v30 =	vadd.f32 v47, v46  }
0xaf: {  	v31 =	vld [tilespmem:s17+$0xFFFFFF20];
	v32 =	vmul.f32 v33, v32  }
0xb0: {  	v4 =	vmul.f32 v36, v34;
	v6 =	vmul.f32 v37, v35;
	v0 =	vadd.f32 v30, v45;
	v30 =	vld [tilespmem:s17+$0xFFFFFF30]  }
0xb1: {  	v60 =	vld [tilespmem:$0x1FE40];
	(xrf2) =	vadd.scan.msk.f32 $0xffff, v44;
	v7 =	vmul.f32 v39, v38;
	v9 =	vmul.f32 v41, v40  }
0xb2: {  	v44 =	vld [tilespmem:$0x1FEA0];
	v10 =	vmul.f32 v43, v42;
	v28 =	vadd.f32 v29, v28;
	v32 =	vadd.f32 v4, v32  }
0xb3: {  	v17 =	vmul.f32 v18, v17;
	v18 =	vld [tilespmem:s17+$0xB0];
	v41 =	vadd.f32 v7, v6  }
0xb4: {  	v23 =	vmul.f32 v23, v13;
	v46 =	vld [tilespmem:$0x1FEC0];
	v42 =	vadd.f32 v10, v9;
	v36, _, _ =	vpop (xrf2);
	(xrf2) =	vadd.scan.msk.f32 $0xffff, v0;
	v28 =	vadd.f32 v32, v28  }
0xb5: {  	v47 =	vld [tilespmem:$0x1FED0];
	v20 =	vmul.f32 v31, v20;
	v30 =	vmul.f32 v30, v5  }
0xb6: {  	v29, _, _ =	vpop (xrf2);
	v31 =	vld [tilespmem:s18+$0xB0];
	(xrf2) =	vadd.scan.msk.f32 $0xffff, v28;
	v28 =	vadd.f32 v42, v41  }
0xb7: {  	v14 =	vmul.f32 v16, v14;
	v16 =	vld [tilespmem:s17+$0x160];
	v2 =	vadd.f32 v21, v23;
	v20 =	vadd.f32 v30, v20  }
0xb8: {  	v13 =	vld [tilespmem:s17+$0x170];
	v15 =	vmul.f32 v8, v15;
	v23 =	vmul.f32 v24, v11;
	v43, _, _ =	vpop (xrf2);
	(xrf2) =	vadd.scan.msk.f32 $0xffff, v28  }
0xb9: {  	v24 =	vld [tilespmem:s18+$0x170];
	v12 =	vmul.f32 v1, v44;
	v20 =	vadd.f32 v20, v2  }
0xba: {  	v8 =	vld [tilespmem:s18+$0x1F0];
	v14 =	vadd.f32 v14, v17;
	v10 =	vmul.f32 v22, v48;
	v45 =	vadd.f32 v23, v15  }
0xbb: {  	v11 =	vld [tilespmem:s18+$0x1E0];
	v9 =	vmul.f32 v47, v46;
	v21, _, _ =	vpop (xrf2);
	v17 =	vmul.f32 v18, v31;
	(xrf2) =	vadd.scan.msk.f32 $0xffff, v20  }
0xbc: {  	v7 =	vmul.f32 v50, v49;
	v6 =	vld [tilespmem:s17+$0x1F0];
	v14 =	vadd.f32 v45, v14  }
0xbd: {  	v4 =	vmul.f32 v53, v52;
	v9 =	vadd.f32 v9, v12;
	v18 =	vld [tilespmem:s17+$0x1E0];
	v51 =	vadd.f32 v17, v10  }
0xbe: {  	v5 =	vmul.f32 v16, v55;
	v12 =	vmul.f32 v13, v24;
	v15, _, _ =	vpop (xrf2);
	(xrf2) =	vadd.scan.msk.f32 $0xffff, v14  }
0xbf: {  	v9 =	vadd.f32 v51, v9  }
0xc0: {  	v4 =	vadd.f32 v4, v7;
	v57 =	vadd.f32 v12, v5  }
0xc1: {  	v1 =	vmul.f32 v60, v59;
	v0 =	vmul.f32 v58, v19;
	v56, _, _ =	vpop (xrf2);
	(xrf2) =	vadd.scan.msk.f32 $0xffff, v9  }
0xc2: {  	v8 =	vmul.f32 v6, v8;
	v61 =	vadd.f32 v57, v4;
	v3 =	vmul.f32 v18, v11;
	v62, _, _ =	vpop (xrf2)  }
0xc3: {  	v63 =	vbroadcast v56, $0xF;
	v5 =	vbroadcast v62, $0xF  }
0xc4: {  	v0 =	vadd.f32 v1, v0;
	v9 =	vbroadcast v15, $0xF;
	v10 =	vadd.f32 v8, v3;
	(xrf2) =	vadd.scan.msk.f32 $0xffff, v61  }
0xc5: {  	v33 =	vbroadcast v21, $0xF;
	v11 =	vsel vm0, v63, v5;
	v34, _, _ =	vpop (xrf2)  }
0xc6: {  	v0 =	vadd.f32 v10, v0;
	v2 =	vsel vm1, v11, v9;
	v35 =	vbroadcast v34, $0xF  }
0xc7: {  	v38 =	vbroadcast v43, $0xF;
	v37 =	vsel vm2, v2, v33  }
0xc8: {  	v39 =	vbroadcast v29, $0xF;
	v40, _, _ =	vpop (xrf2);
	(xrf2) =	vadd.scan.msk.f32 $0xffff, v0;
	v1 =	vsel vm3, v37, v35  }
0xc9: {  	v42 =	vbroadcast v40, $0xF;
	v41 =	vsel vm4, v1, v38  }
0xca: {  	v43 =	vbroadcast v36, $0xF;
	v0 =	vsel vm5, v41, v39  }
0xcb: {  	v44 =	vbroadcast v27, $0xF;
	v45, _, _ =	vpop (xrf2);
	v0 =	vsel vm6, v0, v42  }
0xcc: {  	v46 =	vbroadcast v45, $0xF;
	v0 =	vsel vm7, v0, v43  }
0xcd: {  	v47 =	vbroadcast v26, $0xF;
	v0 =	vsel vm8, v0, v44  }
0xce: {  	s21 =	sshra.s32 s19, $0x2;
	v48 =	vbroadcast v25, $0xF;
	v49, _, _ =	vpop (xrf2);
	v0 =	vsel vm9, v0, v46  }
0xcf: {  	v51 =	vld [tilespmem:s21+$0x10000];
	v50 =	vbroadcast v49, $0xF;
	v0 =	vsel vm10, v0, v47  }
0xd0: {  	v52 =	vbroadcast v54, $0xF;
	v0 =	vsel vm11, v0, v48  }
0xd1: {  	v53 =	vld [tilespmem:s21+$0x10200];
	v0 =	vsel vm12, v0, v50  }
0xd2: {  	v54, _, _ =	vpop (xrf2);
	v0 =	vsel vm13, v0, v52  }
0xd3: {  	v0 =	vsel vm14, v0, v54  }
0xd4: {  	v0 =	vadd.f32 v0, v51;
	_ =	sdelay $0x1  }
0xd5: {  	v0 =	vadd.f32 v0, v53;
	_ =	sdelay $0x1  }
0xd6: {  	s18 =	sadd.s32 $0x400, s18;
	[tilespmem:s21+$0x10400] =	vst v0  }
0xd7: {  	s17 =	sadd.s32 $0x400, s17;
	v0 =	vld [tilespmem:s18+$0x1C0]  }
0xd8: {  	v55 =	vld [tilespmem:s17+$0x1C0]  }
0xd9: {  	v56 =	vld [tilespmem:s18+$0x1D0]  }
0xda: {  	v57 =	vld [tilespmem:s17+$0x1D0]  }
0xdb: {  	v58 =	vld [tilespmem:s18+$0x180]  }
0xdc: {  	v59 =	vld [tilespmem:s17+$0x180]  }
0xdd: {  	v60 =	vld [tilespmem:s18+$0x190]  }
0xde: {  	v22 =	vld [tilespmem:s17+$0x190]  }
0xdf: {  	v27 =	vld [tilespmem:s18+$0x1A0]  }
0xe0: {  	v23 =	vld [tilespmem:s17+$0x1A0]  }
0xe1: {  	v24 =	vld [tilespmem:s18+$0x1B0]  }
0xe2: {  	v28 =	vld [tilespmem:s17+$0x1B0]  }
0xe3: {  	v61 =	vld [tilespmem:s18+$0x140]  }
0xe4: {  	v62 =	vld [tilespmem:s17+$0x140]  }
0xe5: {  	v63 =	vld [tilespmem:s18+$0x150]  }
0xe6: {  	v4 =	vld [tilespmem:s17+$0x150]  }
0xe7: {  	v5 =	vld [tilespmem:s18+$0x160]  }
0xe8: {  	v6 =	vld [tilespmem:s18+$0x100]  }
0xe9: {  	v35 =	vld [tilespmem:s18+$0x110]  }
0xea: {  	v29 =	vld [tilespmem:s17+$0x110]  }
0xeb: {  	v36 =	vld [tilespmem:s18+$0x120]  }
0xec: {  	v30 =	vld [tilespmem:s17+$0x120]  }
0xed: {  	v42 =	vld [tilespmem:s18+$0x130]  }
0xee: {  	v45 =	vld [tilespmem:s17+$0x130]  }
0xef: {  	v7 =	vld [tilespmem:s18+$0xC0]  }
0xf0: {  	v37 =	vld [tilespmem:s17+$0xC0]  }
0xf1: {  	v31 =	vld [tilespmem:s18+$0xD0]  }
0xf2: {  	v43 =	vld [tilespmem:s17+$0xD0]  }
0xf3: {  	v34 =	vld [tilespmem:s18+$0xE0]  }
0xf4: {  	v44 =	vld [tilespmem:s17+$0xE0]  }
0xf5: {  	v32 =	vld [tilespmem:s18+$0xF0]  }
0xf6: {  	v47 =	vld [tilespmem:s17+$0xF0]  }
0xf7: {  	v8 =	vld [tilespmem:s18+$0x80]  }
0xf8: {  	v9 =	vld [tilespmem:s17+$0x80]  }
0xf9: {  	v10 =	vld [tilespmem:s18+$0x90]  }
0xfa: {  	v11 =	vld [tilespmem:s17+$0x90]  }
0xfb: {  	v33 =	vld [tilespmem:s18+$0xA0]  }
0xfc: {  	v48 =	vld [tilespmem:s18+$0x40]  }
0xfd: {  	v50 =	vld [tilespmem:s17+$0x40]  }
0xfe: {  	v51 =	vld [tilespmem:s18+$0x50]  }
0xff: {  	v54 =	vld [tilespmem:s17+$0x50]  }
0x100: {  	v52 =	vld [tilespmem:s18+$0x60]  }
0x101: {  	v49 =	vld [tilespmem:s18+$0x0]  }
0x102: {  	v53 =	vld [tilespmem:s17+$0x0]  }
0x103: {  	v38 =	vld [tilespmem:s18+$0xFFFFFFC0]  }
0x104: {  	v39 =	vld [tilespmem:s17+$0xFFFFFFC0]  }
0x105: {  	v40 =	vld [tilespmem:s18+$0xFFFFFFD0]  }
0x106: {  	v41 =	vld [tilespmem:s17+$0xFFFFFFD0]  }
0x107: {  	v46 =	vld [tilespmem:s18+$0xFFFFFFE0]  }
0x108: {  	v1 =	vld [tilespmem:s17+$0xFFFFFF80]  }
0x109: {  	v2 =	vld [tilespmem:s18+$0xFFFFFF90]  }
0x10a: {  	v3 =	vld [tilespmem:s17+$0xFFFFFF90]  }
0x10b: {  	v12 =	vld [tilespmem:s18+$0xFFFFFF60]  }
0x10c: {  	v14 =	vld [tilespmem:s18+$0xFFFFFF70]  }
0x10d: {  	v15 =	vld [tilespmem:s17+$0xFFFFFF70]  }
0x10e: {  	v13 =	vld [tilespmem:s18+$0xFFFFFF00]  }
0x10f: {  	v16 =	vld [tilespmem:s18+$0xFFFFFEC0]  }
0x110: {  	v17 =	vld [tilespmem:s17+$0xFFFFFEC0]  }
0x111: {  	v18 =	vld [tilespmem:s18+$0xFFFFFED0]  }
0x112: {  	v20 =	vld [tilespmem:s17+$0xFFFFFED0]  }
0x113: {  	v19 =	vld [tilespmem:s18+$0xFFFFFEE0]  }
0x114: {  	v21 =	vld [tilespmem:s17+$0xFFFFFEE0]  }
0x115: {  	[tilespmem:$0x1FE10] =	vst v0;
	v0 =	vld [tilespmem:s17+$0x100]  }
0x116: {  	[tilespmem:$0x1FE20] =	vst v55;
	v55 =	vld [tilespmem:s17+$0x60]  }
0x117: {  	[tilespmem:$0x1FE30] =	vst v56;
	v56 =	vld [tilespmem:s18+$0x70]  }
0x118: {  	[tilespmem:$0x1FE40] =	vst v57;
	v57 =	vld [tilespmem:s17+$0x70]  }
0x119: {  	[tilespmem:$0x1FD70] =	vst v58;
	v58 =	vld [tilespmem:s18+$0x10]  }
0x11a: {  	[tilespmem:$0x1FD80] =	vst v59;
	v59 =	vld [tilespmem:s17+$0x10]  }
0x11b: {  	[tilespmem:$0x1FD90] =	vst v60;
	v60 =	vld [tilespmem:s18+$0x20]  }
0x11c: {  	[tilespmem:$0x1FE50] =	vst v61;
	v61 =	vld [tilespmem:s17+$0x20]  }
0x11d: {  	[tilespmem:$0x1FE60] =	vst v62;
	v62 =	vld [tilespmem:s18+$0x30]  }
0x11e: {  	[tilespmem:$0x1FE70] =	vst v63;
	v63 =	vld [tilespmem:s17+$0x30]  }
0x11f: {  	[tilespmem:$0x1FEE0] =	vst v33;
	v33 =	vld [tilespmem:s18+$0xFFFFFF80]  }
0x120: {  	[tilespmem:$0x1FE80] =	vst v4;
	v4 =	vld [tilespmem:s18+$0xFFFFFFA0]  }
0x121: {  	[tilespmem:$0x1FE90] =	vst v5;
	v5 =	vld [tilespmem:s17+$0xFFFFFFA0]  }
0x122: {  	[tilespmem:$0x1FDA0] =	vst v6;
	v6 =	vld [tilespmem:s18+$0xFFFFFFB0]  }
0x123: {  	[tilespmem:$0x1FDB0] =	vst v7;
	v7 =	vld [tilespmem:s17+$0xFFFFFFB0]  }
0x124: {  	[tilespmem:$0x1FE00] =	vst v39;
	v39 =	vld [tilespmem:s18+$0xFFFFFF40]  }
0x125: {  	[tilespmem:$0x1FDE0] =	vst v38;
	v38 =	vld [tilespmem:s17+$0xFFFFFF40]  }
0x126: {  	v25 =	vld [tilespmem:$0x1FD70]  }
0x127: {  	v26 =	vld [tilespmem:$0x1FD80]  }
0x128: {  	[tilespmem:$0x1FEC0] =	vst v10;
	v10 =	vld [tilespmem:s18+$0xFFFFFF50]  }
0x129: {  	[tilespmem:$0x1FED0] =	vst v11;
	v11 =	vld [tilespmem:s17+$0xFFFFFF50]  }
0x12a: {  	[tilespmem:$0x1FEB0] =	vst v9;
	v9 =	vld [tilespmem:s17+$0xFFFFFF60]  }
0x12b: {  	[tilespmem:$0x1FDC0] =	vst v46;
	v46 =	vld [tilespmem:s17+$0xFFFFFF00]  }
0x12c: {  	v25 =	vmul.f32 v26, v25;
	v26 =	vld [tilespmem:$0x1FD90]  }
0x12d: {  	[tilespmem:$0x1FDF0] =	vst v41;
	v41 =	vld [tilespmem:s18+$0xFFFFFF10]  }
0x12e: {  	[tilespmem:$0x1FDD0] =	vst v40;
	v40 =	vld [tilespmem:s17+$0xFFFFFF10]  }
0x12f: {  	[tilespmem:$0x1FEA0] =	vst v8;
	v8 =	vld [tilespmem:s18+$0xFFFFFF20]  }
0x130: {  	v27 =	vmul.f32 v23, v27;
	v23 =	vld [tilespmem:s17+$0xFFFFFEF0]  }
0x131: {  	v28 =	vmul.f32 v28, v24;
	v24 =	vld [tilespmem:s18+$0xFFFFFE80];
	v26 =	vmul.f32 v22, v26  }
0x132: {  	v31 =	vmul.f32 v43, v31;
	v43 =	vld [tilespmem:s18+$0xFFFFFEA0]  }
0x133: {  	v25 =	vadd.f32 v26, v25;
	v26 =	vld [tilespmem:$0x1FDA0]  }
0x134: {  	v32 =	vmul.f32 v47, v32;
	v47 =	vld [tilespmem:s17+$0xFFFFFEB0]  }
0x135: {  	v29 =	vmul.f32 v29, v35;
	v35 =	vld [tilespmem:s18+$0xFFFFFE40]  }
0x136: {  	v27 =	vadd.f32 v28, v27;
	v28 =	vmul.f32 v30, v36;
	v30 =	vmul.f32 v45, v42;
	v42 =	vld [tilespmem:s18+$0xFFFFFE90]  }
0x137: {  	v45 =	vld [tilespmem:s18+$0xFFFFFEB0]  }
0x138: {  	v36 =	vld [tilespmem:s17+$0xFFFFFE30];
	v26 =	vmul.f32 v0, v26  }
0x139: {  	v28 =	vadd.f32 v30, v28;
	v30 =	vmul.f32 v44, v34;
	v44 =	vld [tilespmem:s17+$0xFFFFFEA0]  }
0x13a: {  	v26 =	vadd.f32 v29, v26;
	v29 =	vld [tilespmem:$0x1FDB0]  }
0x13b: {  	v34 =	vld [tilespmem:s18+$0xFFFFFE30];
	v55 =	vmul.f32 v55, v52  }
0x13c: {  	v56 =	vmul.f32 v57, v56;
	v1 =	vmul.f32 v1, v33;
	v33 =	vld [tilespmem:s17+$0xFFFFFE20]  }
0x13d: {  	v59 =	vmul.f32 v59, v58;
	v22 =	vld [tilespmem:s18+$0xFFFFFEF0]  }
0x13e: {  	v58 =	vmul.f32 v20, v18;
	v18 =	vld [tilespmem:$0x1FE00];
	v30 =	vadd.f32 v32, v30;
	v32 =	vadd.f32 v56, v55  }
0x13f: {  	v55 =	vmul.f32 v15, v14;
	v15 =	vld [tilespmem:$0x1FDC0];
	v25 =	vadd.f32 v27, v25;
	v29 =	vmul.f32 v37, v29  }
0x140: {  	v27 =	vld [tilespmem:s17+$0xFFFFFE90];
	v26 =	vadd.f32 v28, v26  }
0x141: {  	v14 =	vld [tilespmem:$0x1FDD0];
	(xrf2) =	vadd.scan.msk.f32 $0xffff, v25;
	v25 =	vadd.f32 v31, v29;
	v29 =	vmul.f32 v50, v48;
	v31 =	vmul.f32 v54, v51  }
0x142: {  	v61 =	vmul.f32 v61, v60;
	v60 =	vmul.f32 v23, v22;
	v22 =	vmov v40;
	v40 =	vld [tilespmem:s18+$0xFFFFFE60]  }
0x143: {  	v23 =	vmovc v46;
	v46 =	vmul.f32 v44, v43;
	v43 =	vld [tilespmem:s17+$0xFFFFFE70];
	(xrf2) =	vadd.scan.msk.f32 $0xffff, v26;
	v26 =	vadd.f32 v31, v29  }
0x144: {  	v0 =	vld [tilespmem:s17+$0xFFFFFE80];
	v25 =	vadd.f32 v30, v25  }
0x145: {  	v63 =	vmul.f32 v63, v62;
	v62 =	vmul.f32 v27, v42;
	v42 =	vld [tilespmem:s18+$0xFFFFFE70];
	v26 =	vadd.f32 v32, v26  }
0x146: {  	v2 =	vmul.f32 v3, v2;
	v28 =	vld [tilespmem:s17+$0xFFFFFE00];
	(xrf2) =	vadd.scan.msk.f32 $0xffff, v25  }
0x147: {  	v57 =	vmul.f32 v53, v49;
	v4 =	vmul.f32 v5, v4;
	v37 =	vld [tilespmem:s17+$0xFFFFFE40];
	(xrf2) =	vadd.scan.msk.f32 $0xffff, v26  }
0x148: {  	v49 =	vmul.f32 v7, v6;
	v51 =	vmul.f32 v38, v39;
	v38 =	vld [tilespmem:s18+$0xFFFFFE50]  }
0x149: {  	v52 =	vmul.f32 v11, v10;
	v39 =	vld [tilespmem:s17+$0xFFFFFE50]  }
0x14a: {  	v53 =	vmul.f32 v9, v12;
	v1 =	vadd.f32 v2, v1;
	v4 =	vadd.f32 v49, v4;
	v29 =	vld [tilespmem:s18+$0xFFFFFE00]  }
0x14b: {  	v48 =	vadd.f32 v63, v61;
	v30 =	vld [tilespmem:s18+$0xFFFFFE10];
	v25 =	vadd.f32 v59, v57  }
0x14c: {  	p0 =	sne.s32 s20, $0x7C0;
	v5 =	vadd.f32 v55, v53;
	v31 =	vld [tilespmem:s17+$0xFFFFFE10];
	v56 =	vadd.f32 v52, v51  }
.Ltmp0:
0x14d: {  	v32 =	vld [tilespmem:s18+$0xFFFFFE20];
	v57 =	vmul.f32 v17, v16;
	v59 =	vmul.f32 v21, v19;
	v50 =	vadd.f32 v48, v25;
	(pc) =	sbr.rel @p0 .LBB2_2-.Ltmp0, $4  }
0x14e: {  	v1 =	vadd.f32 v4, v1;
	v54, _, _ =	vpop (xrf2);
	v17 =	vld [tilespmem:$0x1FDE0];
	v2 =	vadd.f32 v5, v56  }
0x14f: {  	v0 =	vmul.f32 v0, v24;
	v16 =	vld [tilespmem:$0x1FDF0];
	v61 =	vadd.f32 v58, v57;
	v63 =	vadd.f32 v60, v59;
	(xrf2) =	vadd.scan.msk.f32 $0xffff, v50;
	v25, _, _ =	vpop (xrf2)  }
0x150: {  	v20 =	vmov v8;
	v47 =	vmul.f32 v47, v45;
	v19 =	vld [tilespmem:$0x1FE10];
	(xrf2) =	vadd.scan.msk.f32 $0xffff, v1;
	v26, _, _ =	vpop (xrf2)  }
0x151: {  	s19 =	smov.u32 s20;
	s20 =	sadd.s32 $0x40, s20;
	v45 =	vadd.f32 v62, v0;
	v21 =	vmov v41;
	v41 =	vld [tilespmem:s17+$0xFFFFFE60];
	v44 =	vadd.f32 v63, v61;
	(xrf2) =	vadd.scan.msk.f32 $0xffff, v2;
	v27, _, _ =	vpop (xrf2)  }
0x152: {  	v0 =	vld [tilespmem:s17+$0xFFFFFF20]  }
0x153: {  	v3 =	vld [tilespmem:s18+$0xFFFFFF30]  }
0x154: {  	v6 =	vld [tilespmem:s17+$0xFFFFFF30]  }
0x155: {  	v10 =	vld [tilespmem:s17+$0xFFFFFFE0]  }
0x156: {  	v12 =	vld [tilespmem:s18+$0xFFFFFFF0]  }
0x157: {  	v7 =	vadd.f32 v47, v46;
	v47 =	vld [tilespmem:s17+$0xFFFFFFF0]  }
0x158: {  	v49 =	vld [tilespmem:s17+$0xA0]  }
0x159: {  	v50 =	vld [tilespmem:s18+$0xB0]  }
0x15a: {  	v52 =	vld [tilespmem:s17+$0xB0]  }
0x15b: {  	v56 =	vld [tilespmem:s17+$0x160]  }
0x15c: {  	v59 =	vld [tilespmem:s18+$0x170]  }
0x15d: {  	v60 =	vld [tilespmem:$0x1FEA0]  }
0x15e: {  	v61 =	vld [tilespmem:$0x1FEB0]  }
0x15f: {  	v1 =	vmul.f32 v28, v29;
	v2 =	vmul.f32 v31, v30;
	v62 =	vld [tilespmem:s17+$0x170]  }
0x160: {  	v4 =	vmul.f32 v33, v32;
	v48 =	vmul.f32 v22, v21;
	v21 =	vld [tilespmem:s17+$0x1E0]  }
0x161: {  	v5 =	vmul.f32 v36, v34;
	v46 =	vmul.f32 v23, v13;
	v23 =	vld [tilespmem:$0x1FE50]  }
0x162: {  	v8 =	vmul.f32 v37, v35;
	v9 =	vmul.f32 v39, v38;
	v24 =	vld [tilespmem:$0x1FE60]  }
0x163: {  	v11 =	vmul.f32 v43, v42;
	v28 =	vld [tilespmem:s18+$0x1F0];
	v1 =	vadd.f32 v2, v1;
	v41 =	vmul.f32 v41, v40  }
0x164: {  	v30 =	vld [tilespmem:$0x1FE70];
	v51 =	vmul.f32 v18, v17;
	v7 =	vadd.f32 v7, v45;
	v4 =	vadd.f32 v5, v4  }
0x165: {  	v17 =	vld [tilespmem:$0x1FED0];
	v8 =	vadd.f32 v9, v8;
	v55 =	vmul.f32 v16, v14;
	v2 =	vadd.f32 v11, v41  }
0x166: {  	(xrf2) =	vadd.scan.msk.f32 $0xffff, v44;
	v16 =	vld [tilespmem:$0x1FEC0];
	v1 =	vadd.f32 v4, v1;
	v0 =	vmul.f32 v0, v20;
	v3 =	vmul.f32 v6, v3  }
0x167: {  	(xrf2) =	vadd.scan.msk.f32 $0xffff, v7;
	v20 =	vld [tilespmem:$0x1FEE0];
	v2 =	vadd.f32 v2, v8  }
0x168: {  	v31 =	vld [tilespmem:$0x1FE80];
	v53 =	vadd.f32 v48, v46;
	(xrf2) =	vadd.scan.msk.f32 $0xffff, v1;
	v0 =	vadd.f32 v3, v0  }
0x169: {  	v34 =	vld [tilespmem:$0x1FE90];
	v57 =	vmul.f32 v10, v15;
	v58 =	vmul.f32 v47, v12;
	(xrf2) =	vadd.scan.msk.f32 $0xffff, v2  }
0x16a: {  	v32 =	vld [tilespmem:s17+$0x1F0];
	v4 =	vmul.f32 v52, v50;
	v0 =	vadd.f32 v0, v53  }
0x16b: {  	v38 =	vld [tilespmem:$0x1FE20];
	v1 =	vmul.f32 v61, v60;
	v3 =	vadd.f32 v55, v51;
	v63 =	vadd.f32 v58, v57  }
0x16c: {  	v39 =	vld [tilespmem:$0x1FE30];
	v8 =	vmul.f32 v17, v16;
	v11 =	vmul.f32 v49, v20;
	(xrf2) =	vadd.scan.msk.f32 $0xffff, v0  }
0x16d: {  	v18 =	vld [tilespmem:s18+$0x1E0];
	v6 =	vmul.f32 v24, v23;
	v22, _, _ =	vpop (xrf2);
	v3 =	vadd.f32 v63, v3  }
0x16e: {  	v40 =	vld [tilespmem:$0x1FE40];
	v5 =	vmul.f32 v56, v34;
	v29, _, _ =	vpop (xrf2);
	v1 =	vadd.f32 v8, v1;
	v4 =	vadd.f32 v4, v11  }
0x16f: {  	v33, _, _ =	vpop (xrf2);
	v8 =	vmul.f32 v31, v30;
	v2 =	vmul.f32 v62, v59;
	(xrf2) =	vadd.scan.msk.f32 $0xffff, v3  }
0x170: {  	v35, _, _ =	vpop (xrf2);
	v1 =	vadd.f32 v4, v1  }
0x171: {  	v6 =	vadd.f32 v8, v6;
	v2 =	vadd.f32 v2, v5;
	v36, _, _ =	vpop (xrf2)  }
0x172: {  	v43 =	vmul.f32 v32, v28;
	v42 =	vmul.f32 v21, v18;
	v37, _, _ =	vpop (xrf2);
	(xrf2) =	vadd.scan.msk.f32 $0xffff, v1  }
0x173: {  	v10 =	vmul.f32 v40, v39;
	v8 =	vmul.f32 v38, v19;
	v41 =	vadd.f32 v2, v6;
	v44, _, _ =	vpop (xrf2)  }
0x174: {  	v5 =	vbroadcast v37, $0xF;
	v7 =	vbroadcast v44, $0xF  }
0x175: {  	v8 =	vadd.f32 v10, v8;
	v2 =	vadd.f32 v43, v42;
	v4 =	vbroadcast v36, $0xF;
	(xrf2) =	vadd.scan.msk.f32 $0xffff, v41  }
0x176: {  	v3 =	vbroadcast v35, $0xF;
	v46, _, _ =	vpop (xrf2);
	v45 =	vsel vm0, v5, v7  }
0x177: {  	v2 =	vadd.f32 v2, v8;
	v47 =	vbroadcast v46, $0xF;
	v1 =	vsel vm1, v45, v4  }
0x178: {  	v48 =	vbroadcast v33, $0xF;
	v1 =	vsel vm2, v1, v3  }
0x179: {  	v49 =	vbroadcast v29, $0xF;
	v50, _, _ =	vpop (xrf2);
	(xrf2) =	vadd.scan.msk.f32 $0xffff, v2;
	v1 =	vsel vm3, v1, v47  }
0x17a: {  	v51 =	vbroadcast v50, $0xF;
	v1 =	vsel vm4, v1, v48  }
0x17b: {  	v0 =	vbroadcast v22, $0xF;
	v1 =	vsel vm5, v1, v49  }
0x17c: {  	v52 =	vbroadcast v27, $0xF;
	v53, _, _ =	vpop (xrf2);
	v1 =	vsel vm6, v1, v51  }
0x17d: {  	v55 =	vbroadcast v53, $0xF;
	v0 =	vsel vm7, v1, v0  }
0x17e: {  	v56 =	vbroadcast v26, $0xF;
	v0 =	vsel vm8, v0, v52  }
0x17f: {  	s31 =	sshra.s32 s19, $0x2;
	v57 =	vbroadcast v25, $0xF;
	v58, _, _ =	vpop (xrf2);
	v0 =	vsel vm9, v0, v55  }
0x180: {  	v60 =	vld [tilespmem:s31+$0x10000];
	v59 =	vbroadcast v58, $0xF;
	v0 =	vsel vm10, v0, v56  }
0x181: {  	v61 =	vbroadcast v54, $0xF;
	v0 =	vsel vm11, v0, v57  }
0x182: {  	v62 =	vld [tilespmem:s31+$0x10200];
	v0 =	vsel vm12, v0, v59  }
0x183: {  	v63, _, _ =	vpop (xrf2);
	v0 =	vsel vm13, v0, v61  }
0x184: {  	v0 =	vsel vm14, v0, v63  }
0x185: {  	v0 =	vadd.f32 v0, v60;
	_ =	sdelay $0x1  }
0x186: {  	s16 =	sadd.s32 $0x1, s16;
	v0 =	vadd.f32 v0, v62  }
0x187: {  	p0 =	sne.s32 s16, s8  }
.Ltmp1:
0x188: {  	[tilespmem:s31+$0x10400] =	vst v0;
	(pc) =	sbr.rel @p0 .LBB2_1-.Ltmp1, $4  }
0x189: {  	[hbm4b:s7+s2] =	stream.linear.scatter [tilespmem:s15], [sflag:$0x3], $0x200, $0x38;
	[tilespmem:$0x10600] =	vst v63  }
0x18a: {  	_ =	swait.ge [sflag:s11], $0x200  }
0x18b: {  	[sflag:s11] =	ssyncset.done $0x0  }
0x18c: {  	[sflag:s11] =	ssyncadd.s32 $0xFFFFFE00  }
0x18d: {  	_ =	sfence.sel $0x180000  }
0x18e: {  	[bflag:$0x0] =	sbarrier.arrive $0xFFFF  }
0x18f: {  	p0 =	sne.s32 s1, $0x0;
	_ =	strace $0x9000004D  }
0x190: {  	s0 =	sadd.s32 @!p0 $0x100000, s0;
	[bflag:$0x2] =	sbarrier.arrive $0xFFFF  }
0x191: {  	[sflag:s0] =	ssyncadd.tile.s32 @!p0 $0x1;
	_ =	shalt  }
.Lfunc_end2:
_tile_overlayer_lowered:
.L_overlay_start_2:
0x192: {  	(tag) =	ssettag $0x2  }
0x193: {  	s0 =	rddreg [dreg:$0x0];
	s2 =	stileid.u32  }
0x194: {  	s1 =	rddreg [dreg:$0x1];
	p0 =	sne.s32 s2, $0x0  }
0x195: {  	s3 =	rddreg [dreg:$0x2];
	[bflag:$0x3] =	sbarrier.arrive $0xFFFF;
	s2 =	simm.s32 @!p0 $0x1C03  }
0x196: {  	[timem:s3], [sflag:s2] =	dma.local @!p0 [hbm:s0], s1  }
0x197: {  	s0 =	simm.s32 @!p0 $0x3  }
0x198: {  	_ =	swait.ge @!p0 [sflag:s0], s1  }
0x199: {  	s1 =	ssub.s32 @!p0 $0x0, s1;
	[sflag:s0] =	ssyncset.done @!p0 $0x0  }
0x19a: {  	[sflag:s0] =	ssyncadd.s32 @!p0 s1  }
0x19b: {  	[bflag:$0x3] =	sbarrier.arrive $0xFFFF  }
0x19c: {  	_ =	shalt  }

// kernel: kernel.5.cloned.1.call-start
scs
__scs_entry_jumppad:
0x0: {  	(pc) =	sbr.rel $0x88, $3  }
0x1: {  	(tag) =	ssettag $0x0;
	lr =	simm.s32 $0x1  }
0x2: {  	[smem:$0x3F9B] =	sst lr;
	_ =	strace $0xD0000000  }
0x3: {  	_ = 	snop  }
0x4: {  	_ = 	snop  }
0x5: {  	_ = 	snop  }
0x6: {  	_ = 	snop  }
0x7: {  	_ = 	snop  }
__scs_overlays_trampoline_lowered:
0x8: {  	[smem:$0x3FAA] =	sst s0  }
0x9: {  	[smem:$0x3FAB] =	sst s1  }
0xa: {  	[smem:$0x3FAC] =	sst s2  }
0xb: {  	[smem:$0x3FAD] =	sst s3  }
0xc: {  	[smem:$0x3FAE] =	sst s4  }
0xd: {  	[smem:$0x3FAF] =	sst s5  }
0xe: {  	[smem:$0x3FB0] =	sst s6  }
0xf: {  	[smem:$0x3FB1] =	sst s7  }
0x10: {  	[smem:$0x3FB2] =	sst s8  }
0x11: {  	[smem:$0x3FB3] =	sst s9;
	s0 =	simm.s32 @!p0 $0x0  }
0x12: {  	s1 =	sld [smem:$0x3F99];
	s0 =	simm.s32 @p0 $0x1  }
0x13: {  	[smem:$0x3FB4] =	sst s0;
	s0 =	simm.s32 @!p1 $0x0  }
0x14: {  	s2 =	sld [smem:$0x3F98];
	s0 =	simm.s32 @p1 $0x1  }
0x15: {  	[smem:$0x3FB5] =	sst s0;
	s0 =	simm.s32 @!p2 $0x0  }
0x16: {  	s3 =	sld [smem:$0x3FDB];
	s0 =	simm.s32 @p2 $0x1  }
0x17: {  	s4 =	simm.s32 $0x1BF5;
	[smem:$0x3FB7] =	sst s0  }
0x18: {  	s0 =	sld [smem:$0x3F9A];
	_ =	swait.ge [sflag:s4], $0x0  }
0x19: {  	s7 =	sld [smem:$0x3F9B]  }
0x1a: {  	s8 =	sadd.s32 $0xFFFFE003, lr  }
0x1b: {  	s9 =	sadd.s32 $0xFFFFFEF7, lr;
	s5 =	simm.s32 $0xFFFFFFFF;
	p2 =	slt.u32 s8, $0xFFFFF086  }
0x1c: {  	p1 =	slt.u32 s9, $0xF7A;
	s5 =	simm.s32 @!p2 $0x0  }
0x1d: {  	s5 =	simm.s32 @p1 $0x1;
	p0 =	seq.s32 s7, s2  }
0x1e: {  	s7 =	smul.u32 @!p0 $0xF7A, s2;
	p2 =	seq.s32 @!p0 s5, $0x0  }
0x1f: {  	s9 =	smul.u32 $0xF7A, s1;
	s8 =	simm.s32 @!p0 $0x1BF5;
	p2 =	por !p2, p0  }
0x20: {  	[sflag:s8] =	ssyncset.s32 @!p0 $0xFFFFF086;
	s6 =	sadd.s32 @!p0 s3, s7;
	s7 =	simm.s32 @!p0 $0x108  }
0x21: {  	s3 =	sadd.s32 s3, s9;
	s6 =	sadd.s32 @!p0 $0x88, s6;
	s7 =	simm.s32 @p2 $0x1082  }
0x22: {  	[simem:s7], [sflag:s8] =	dma.local @!p0 [hbm:s6], $0xF7A  }
0x23: {  	s9 =	sor.u32 $0xD0000000, s2;
	s6 =	simm.s32 $0x108;
	_ =	swait.ge @!p0 [sflag:s8], $0x0  }
0x24: {  	s3 =	sadd.s32 $0x88, s3;
	s6 =	simm.s32 @!p1 $0x1082;
	[sflag:s4] =	ssyncset.s32 $0xFFFFF086  }
0x25: {  	[simem:s6], [sflag:s4] =	dma.local [hbm:s3], $0xF7A  }
0x26: {  	[smem:$0x3F9B] =	sst s1;
	(tag) =	ssettag s2;
	_ =	strace s9  }
0x27: {  	s1 =	sld [smem:$0x3FAB]  }
0x28: {  	s2 =	sld [smem:$0x3FAC]  }
0x29: {  	s4 =	sld [smem:$0x3FAE]  }
0x2a: {  	p0 =	seq.s32 s5, $0x0;
	s5 =	sld [smem:$0x3FAF]  }
0x2b: {  	s6 =	sld [smem:$0x3FB0]  }
0x2c: {  	s7 =	sld [smem:$0x3FB1]  }
0x2d: {  	s3 =	simm.s32 $0x108;
	s8 =	sld [smem:$0x3FB2]  }
0x2e: {  	s3 =	simm.s32 @!p0 $0x1082;
	s9 =	sld [smem:$0x3FB3]  }
0x2f: {  	lr =	sadd.s32 s0, s3;
	s0 =	sld [smem:$0x3FAA]  }
0x30: {  	s3 =	sld [smem:$0x3FAD]  }
0x31: {  	[smem:$0x3FB6] =	sst s10  }
0x32: {  	s10 =	sld [smem:$0x3FB4];
	_ =	sdelay $0x3  }
0x33: {  	p0 =	seq.s32 s10, $0x1;
	s10 =	sld [smem:$0x3FB6];
	_ =	sdelay $0x3  }
0x34: {  	[smem:$0x3FB6] =	sst s10  }
0x35: {  	s10 =	sld [smem:$0x3FB5];
	_ =	sdelay $0x3  }
0x36: {  	p1 =	seq.s32 s10, $0x1;
	s10 =	sld [smem:$0x3FB6];
	_ =	sdelay $0x3  }
0x37: {  	[smem:$0x3FB6] =	sst s10  }
0x38: {  	s10 =	sld [smem:$0x3FB7]  }
0x39: {  	_ = 	snop;
	(pc) =	sbr.ind lr, $3  }
0x3a: {  	_ = 	snop  }
0x3b: {  	_ = 	snop  }
0x3c: {  	p2 =	seq.s32 s10, $0x1;
	s10 =	sld [smem:$0x3FB6]  }
0x3d: {  	_ =	shalt  }
0x3e: {  	_ =	shalt  }
0x3f: {  	_ =	shalt  }
0x40: {  	_ =	shalt  }
0x41: {  	_ =	shalt  }
0x42: {  	_ =	shalt  }
0x43: {  	_ =	shalt  }
0x44: {  	_ =	shalt  }
0x45: {  	_ =	shalt  }
0x46: {  	_ =	shalt  }
0x47: {  	_ =	shalt  }
0x48: {  	_ =	shalt  }
0x49: {  	_ =	shalt  }
0x4a: {  	_ =	shalt  }
0x4b: {  	_ =	shalt  }
0x4c: {  	_ =	shalt  }
0x4d: {  	_ =	shalt  }
0x4e: {  	_ =	shalt  }
0x4f: {  	_ =	shalt  }
0x50: {  	_ =	shalt  }
0x51: {  	_ =	shalt  }
0x52: {  	_ =	shalt  }
0x53: {  	_ =	shalt  }
0x54: {  	_ =	shalt  }
0x55: {  	_ =	shalt  }
0x56: {  	_ =	shalt  }
0x57: {  	_ =	shalt  }
0x58: {  	_ =	shalt  }
0x59: {  	_ =	shalt  }
0x5a: {  	_ =	shalt  }
0x5b: {  	_ =	shalt  }
0x5c: {  	_ =	shalt  }
0x5d: {  	_ =	shalt  }
0x5e: {  	_ =	shalt  }
0x5f: {  	_ =	shalt  }
0x60: {  	_ =	shalt  }
0x61: {  	_ =	shalt  }
0x62: {  	_ =	shalt  }
0x63: {  	_ =	shalt  }
0x64: {  	_ =	shalt  }
0x65: {  	_ =	shalt  }
0x66: {  	_ =	shalt  }
0x67: {  	_ =	shalt  }
0x68: {  	_ =	shalt  }
0x69: {  	_ =	shalt  }
0x6a: {  	_ =	shalt  }
0x6b: {  	_ =	shalt  }
0x6c: {  	_ =	shalt  }
0x6d: {  	_ =	shalt  }
0x6e: {  	_ =	shalt  }
0x6f: {  	_ =	shalt  }
0x70: {  	_ =	shalt  }
0x71: {  	_ =	shalt  }
0x72: {  	_ =	shalt  }
0x73: {  	_ =	shalt  }
0x74: {  	_ =	shalt  }
0x75: {  	_ =	shalt  }
0x76: {  	_ =	shalt  }
0x77: {  	_ =	shalt  }
0x78: {  	_ =	shalt  }
0x79: {  	_ =	shalt  }
0x7a: {  	_ =	shalt  }
0x7b: {  	_ =	shalt  }
0x7c: {  	_ =	shalt  }
0x7d: {  	_ =	shalt  }
0x7e: {  	_ =	shalt  }
0x7f: {  	_ =	shalt  }
0x80: {  	_ =	shalt  }
0x81: {  	_ =	shalt  }
0x82: {  	_ =	shalt  }
0x83: {  	_ =	shalt  }
0x84: {  	_ =	shalt  }
0x85: {  	_ =	shalt  }
0x86: {  	_ =	shalt  }
0x87: {  	_ =	shalt  }
.Lfunc_end0:
.L_simem_size_0:
called_computation_lowered:
.L_overlay_start_0:
0x88: {  	s2 =	sld [smem:$0x3FD9]  }
0x89: {  	s3 =	sld [smem:$0x3FFE];
	_ =	sdelay $0x1  }
0x8a: {  	s1 =	srdreg.scid  }
0x8b: {  	s0 =	sand.u32 $0x1, s1  }
0x8c: {  	s17 =	sshll.u32 s0, $0xA;
	s2 =	sadd.s32 s3, s2  }
0x8d: {  	s2 =	sadd.s32 s2, s17  }
0x8e: {  	[smem:$0x3FC2] =	sst s2  }
0x8f: {  	_ = 	snop  }
0x90: {  	s2 =	sld [smem:$0x3FC9];
	(tm) =	ssettm $0x1  }
0x91: {  	s18 =	sld [smem:$0x3FFB];
	_ =	sdelay $0x3  }
0x92: {  	_ =	strace s18  }
0x93: {  	s3 =	sld [smem:$0x3FFC];
	_ =	sdelay $0x3  }
0x94: {  	_ =	strace s3  }
0x95: {  	s3 =	sld [smem:$0x3FFD];
	_ =	sdelay $0x3  }
0x96: {  	_ =	strace s3  }
0x97: {  	_ =	strace $0x8FFFFFFF  }
0x98: {  	s19 =	sld [smem:$0x3FDB];
	_ =	sdelay $0x1  }
0x99: {  	s4 =	simm.s32 $_scs_section_size  }
0x9a: {  	s5 =	simm.s32 $_size__tile_overlayer_lowered;
	s6 =	simm.s32 $_tile_overlayer_lowered  }
0x9b: {  	s22 =	simm.s32 $0x1BFF;
	s21 =	sshll.u32 s6, $0x1;
	s3 =	sadd.s32 s4, s19  }
0x9c: {  	s7 =	simm.s32 $0x0;
	s20 =	sshll.u32 s5, $0x1;
	s5 =	sadd.s32 s21, s3  }
0x9d: {  	[timem:s7], [sflag:s22] =	dma.local [hbm:s5], s20  }
0x9e: {  	_ =	swait.ge [sflag:s22], s20  }
0x9f: {  	s4 =	ssub.s32 $0x0, s20;
	[sflag:s22] =	ssyncset.done $0x0  }
0xa0: {  	[sflag:s22] =	ssyncadd.s32 s4;
	_ =	sdelay $0x1  }
0xa1: {  	s23 =	simm.s32 $0x1B8B  }
0xa2: {  	_ =	swait.ge [sflag:s23], $0x1  }
0xa3: {  	[sflag:s23] =	ssyncset.done $0x0  }
0xa4: {  	s25 =	simm.s32 $0x1B8E;
	s24 =	sld [smem:$0x3FFE];
	[sflag:s23] =	ssyncadd.s32 $0xFFFFFFFF  }
0xa5: {  	s26 =	simm.s32 $execute0_lowered;
	[smem:$0x3FD2] =	sst s25  }
0xa6: {  	s5 =	sshll.u32 s26, $0x1;
	_ =	strace $0x80000046;
	[dreg:$0x1] =	wrdreg $0xFFFFFFFF  }
0xa7: {  	s28 =	simm.s32 $_size_execute0_lowered;
	s3 =	sadd.s32 s3, s5;
	[dreg:$0x0] =	wrdreg $0x0  }
0xa8: {  	s5 =	sshll.u32 s28, $0x1;
	[dreg:$0x2] =	wrdreg s3  }
0xa9: {  	[dreg:$0x3] =	wrdreg s5  }
0xaa: {  	[dreg:$0x4] =	wrdreg $0xC0  }
0xab: {  	_ =	task [dreg:s7], $0x5FFFF  }
0xac: {  	[dreg:$0x1] =	wrdreg $0xFFFFFFFF  }
0xad: {  	[dreg:$0x0] =	wrdreg $0x60  }
0xae: {  	[dreg:$0x2] =	wrdreg s2  }
0xaf: {  	[dreg:$0x3] =	wrdreg s24  }
0xb0: {  	[dreg:$0x4] =	wrdreg $0x9  }
0xb1: {  	_ =	task.clear_ibuf [dreg:s7], $0x5FFFF;
	_ =	strace $0x90000046  }
0xb2: {  	s29 =	simm.s32 $0x9;
	_ =	strace $0x80000048  }
0xb3: {  	_ =	swait.ge [sflag:s29], $0x1  }
0xb4: {  	[sflag:s29] =	ssyncadd.s32 $0xFFFFFFFF  }
0xb5: {  	_ =	strace $0x90000048  }
0xb6: {  	_ =	sfence  }
0xb7: {  	s30 =	sld [smem:$0x0];
	_ =	sdelay $0x2  }
0xb8: {  	s31 =	sshll.u32 s1, $0xD;
	s1 =	sshrl.u32 s1, $0x2  }
0xb9: {  	s3 =	sand.u32 $0x4000, s31;
	s1 =	sadd.s32 s1, s30  }
0xba: {  	s0 =	sor.u32 s3, s0;
	s1 =	sshll.u32 s1, $0x11  }
0xbb: {  	s0 =	sor.u32 s1, s0  }
0xbc: {  	s0 =	sadd.s32 $0x8F2B, s0  }
0xbd: {  	[sflag:s0] =	ssyncadd.remote.s32 $0x1  }
0xbe: {  	_ =	sfence.sel $0xFFFF  }
0xbf: {  	[dreg:$0x0] =	wrdreg $0xFFFFFFFF;
	(pc) =	sbr.abs _section_cstart, $3  }
0xc0: {  	[dreg:$0x1] =	wrdreg $0xFFFFFFFF  }
0xc1: {  	_ =	task.clear_ibuf [dreg:s7], $0x2FFFF;
	_ =	strace $0x9FFFFFFF  }
0xc2: {  	(tm) =	ssettm $0x7FFFFFFF  }
0xc3: {  	_ =	shalt  }
tec
execute0_lowered:
.L_overlay_start_1:
0x0: {  	(tag) =	ssettag $0x1  }
0x1: {  	s1 =	srdreg.scid  }
0x2: {  	s3 =	rddreg [dreg:$0x0];
	s0 =	stileid.u32;
	s11 =	sand.u32 $0x1, s1  }
0x3: {  	s12 =	rddreg [dreg:$0x1];
	s4 =	sshll.u32 s0, $0xA;
	s5 =	sshll.u32 s11, $0x9  }
0x4: {  	s2 =	simm.s32 $0x0;
	s1 =	rddreg [dreg:$0x2];
	s13 =	sor.u32 s5, s4  }
0x5: {  	[smem:$0x7FF] =	sst s2;
	s14 =	sshrl.u32 s13, $0x3  }
0x6: {  	_ =	strace $0x80000047;
	s4 =	sadd.s32 s3, s14;
	s3 =	simm.s32 $0x3  }
0x7: {  	[tilespmem:s2], [sflag:$0x3] =	stream.linear.gather [hbm4b:s4+s2], $0x200, $0x38;
	[tilespmem:$0x8400] =	vst v63  }
0x8: {  	_ =	swait.ge [sflag:s3], $0x200  }
0x9: {  	[sflag:s3] =	ssyncset.done $0x0  }
0xa: {  	s6 =	simm.s32 $0x200;
	s5 =	sadd.s32 $0xF43400, s12;
	[sflag:s3] =	ssyncadd.s32 $0xFFFFFE00  }
0xb: {  	[tilespmem:s6], [sflag:$0x1] =	stream.indirect.gather [hbm4b:s5+s6], $0x40, s2, s6, $0xb8;
	[tilespmem:$0x8400] =	vst v63  }
0xc: {  	s8 =	simm.s32 $0x8200;
	s9 =	simm.s32 $0x1;
	s7 =	sadd.s32 $0x1000, s12  }
0xd: {  	[tilespmem:s8], [sflag:$0x2] =	stream.indirect.gather [hbm4b:s7+s6], $0x1, s2, s6, $0xb8;
	[tilespmem:$0x8400] =	vst v63  }
0xe: {  	_ =	swait.ge [sflag:s9], $0x8000  }
0xf: {  	s10 =	simm.s32 $0x2;
	[sflag:s9] =	ssyncset.done $0x0  }
0x10: {  	s15 =	ssub.s32 $0x2, s11;
	s13 =	sshll.u32 s13, $0x3;
	[sflag:s9] =	ssyncadd.s32 $0xFFFF8000  }
0x11: {  	s31 =	sshrl.u32 s15, $0x1;
	s13 =	sadd.s32 s13, s12;
	_ =	swait.ge [sflag:s10], $0x200  }
0x12: {  	s11 =	sadd.s32 $0x1FA00, s13;
	s13 =	ssub.s32 s15, s31;
	[sflag:s10] =	ssyncset.done $0x0  }
0x13: {  	s13 =	smax.u32 s13, $0x1;
	[sflag:s10] =	ssyncadd.s32 $0xFFFFFE00  }
0x14: {  	[hbm4b:s11+s2] =	stream.linear.scatter [tilespmem:s6], [sflag:$0x3], $0x8000, $0x38;
	[tilespmem:$0x8400] =	vst v63  }
0x15: {  	p0 =	sne.s32 s13, $0x1;
	_ =	swait.ge [sflag:s3], $0x8000  }
.Ltmp0:
0x16: {  	s12 =	sadd.s32 s14, s12;
	[sflag:s3] =	ssyncset.done $0x0;
	(pc) =	sbr.rel @!p0 .LBB2_2-.Ltmp0, $4  }
0x17: {  	s12 =	sadd.s32 $0x3FA00, s12;
	[sflag:s3] =	ssyncadd.s32 $0xFFFF8000  }
0x18: {  	[hbm4b:s12+s2] =	stream.linear.scatter [tilespmem:s8], [sflag:$0x3], $0x200, $0x38;
	[tilespmem:$0x8400] =	vst v63  }
0x19: {  	_ =	swait.ge [sflag:s3], $0x200  }
0x1a: {  	s13 =	sadd.s32 $0xFFFFFFFF, s13;
	[sflag:s3] =	ssyncset.done $0x0  }
.LBB2_1:
0x1b: {  	p0 =	sne.s32 s13, $0x1;
	s13 =	sadd.s32 $0xFFFFFFFF, s13;
	[sflag:s3] =	ssyncadd.s32 $0xFFFFFE00  }
0x1c: {  	[tilespmem:s2], [sflag:$0x3] =	stream.linear.gather [hbm4b:s4+s2], $0x200, $0x38;
	[tilespmem:$0x8400] =	vst v63  }
0x1d: {  	_ =	swait.ge [sflag:s3], $0x200  }
0x1e: {  	[sflag:s3] =	ssyncset.done $0x0  }
0x1f: {  	[sflag:s3] =	ssyncadd.s32 $0xFFFFFE00  }
0x20: {  	[tilespmem:s6], [sflag:$0x1] =	stream.indirect.gather [hbm4b:s5+s6], $0x40, s2, s6, $0xb8;
	[tilespmem:$0x8400] =	vst v63  }
0x21: {  	_ = 	snop  }
0x22: {  	[tilespmem:s8], [sflag:$0x2] =	stream.indirect.gather [hbm4b:s7+s6], $0x1, s2, s6, $0xb8;
	[tilespmem:$0x8400] =	vst v63  }
0x23: {  	_ =	swait.ge [sflag:s9], $0x8000  }
0x24: {  	[sflag:s9] =	ssyncset.done $0x0  }
0x25: {  	[sflag:s9] =	ssyncadd.s32 $0xFFFF8000  }
0x26: {  	_ =	swait.ge [sflag:s10], $0x200  }
0x27: {  	[sflag:s10] =	ssyncset.done $0x0  }
0x28: {  	[sflag:s10] =	ssyncadd.s32 $0xFFFFFE00  }
0x29: {  	[hbm4b:s11+s2] =	stream.linear.scatter [tilespmem:s6], [sflag:$0x3], $0x8000, $0x38;
	[tilespmem:$0x8400] =	vst v63  }
0x2a: {  	_ =	swait.ge [sflag:s3], $0x8000  }
.Ltmp1:
0x2b: {  	[sflag:s3] =	ssyncset.done $0x0;
	(pc) =	sbr.rel @p0 .LBB2_1-.Ltmp1, $4  }
0x2c: {  	[sflag:s3] =	ssyncadd.s32 $0xFFFF8000  }
0x2d: {  	[hbm4b:s12+s2] =	stream.linear.scatter [tilespmem:s8], [sflag:$0x3], $0x200, $0x38;
	[tilespmem:$0x8400] =	vst v63  }
0x2e: {  	_ =	swait.ge [sflag:s3], $0x200  }
0x2f: {  	[sflag:s3] =	ssyncset.done $0x0  }
.LBB2_2:
0x30: {  	[sflag:s3] =	ssyncadd.s32 $0xFFFFFE00  }
0x31: {  	_ =	sfence.sel $0x180000  }
0x32: {  	[bflag:$0x0] =	sbarrier.arrive $0xFFFF  }
0x33: {  	p0 =	sne.s32 s0, $0x0;
	_ =	strace $0x90000047  }
0x34: {  	s0 =	sadd.s32 @!p0 $0x100000, s1;
	[bflag:$0x2] =	sbarrier.arrive $0xFFFF  }
0x35: {  	[sflag:s0] =	ssyncadd.tile.s32 @!p0 $0x1;
	_ =	shalt  }
.Lfunc_end2:
_tile_overlayer_lowered:
.L_overlay_start_2:
0x36: {  	(tag) =	ssettag $0x2  }
0x37: {  	s0 =	rddreg [dreg:$0x0];
	s2 =	stileid.u32  }
0x38: {  	s1 =	rddreg [dreg:$0x1];
	p0 =	sne.s32 s2, $0x0  }
0x39: {  	s3 =	rddreg [dreg:$0x2];
	[bflag:$0x3] =	sbarrier.arrive $0xFFFF;
	s2 =	simm.s32 @!p0 $0x1C03  }
0x3a: {  	[timem:s3], [sflag:s2] =	dma.local @!p0 [hbm:s0], s1  }
0x3b: {  	s0 =	simm.s32 @!p0 $0x3  }
0x3c: {  	_ =	swait.ge @!p0 [sflag:s0], s1  }
0x3d: {  	s1 =	ssub.s32 @!p0 $0x0, s1;
	[sflag:s0] =	ssyncset.done @!p0 $0x0  }
0x3e: {  	[sflag:s0] =	ssyncadd.s32 @!p0 s1  }
0x3f: {  	[bflag:$0x3] =	sbarrier.arrive $0xFFFF  }
0x40: {  	_ =	shalt  }

// kernel: kernel.8.cloned.1.call-start
scs
__scs_entry_jumppad:
0x0: {  	(pc) =	sbr.rel $0x88, $3  }
0x1: {  	(tag) =	ssettag $0x0;
	lr =	simm.s32 $0x1  }
0x2: {  	[smem:$0x3F9B] =	sst lr;
	_ =	strace $0xD0000000  }
0x3: {  	_ = 	snop  }
0x4: {  	_ = 	snop  }
0x5: {  	_ = 	snop  }
0x6: {  	_ = 	snop  }
0x7: {  	_ = 	snop  }
__scs_overlays_trampoline_lowered:
0x8: {  	[smem:$0x3FAA] =	sst s0  }
0x9: {  	[smem:$0x3FAB] =	sst s1  }
0xa: {  	[smem:$0x3FAC] =	sst s2  }
0xb: {  	[smem:$0x3FAD] =	sst s3  }
0xc: {  	[smem:$0x3FAE] =	sst s4  }
0xd: {  	[smem:$0x3FAF] =	sst s5  }
0xe: {  	[smem:$0x3FB0] =	sst s6  }
0xf: {  	[smem:$0x3FB1] =	sst s7  }
0x10: {  	[smem:$0x3FB2] =	sst s8  }
0x11: {  	[smem:$0x3FB3] =	sst s9;
	s0 =	simm.s32 @!p0 $0x0  }
0x12: {  	s1 =	sld [smem:$0x3F99];
	s0 =	simm.s32 @p0 $0x1  }
0x13: {  	[smem:$0x3FB4] =	sst s0;
	s0 =	simm.s32 @!p1 $0x0  }
0x14: {  	s2 =	sld [smem:$0x3F98];
	s0 =	simm.s32 @p1 $0x1  }
0x15: {  	[smem:$0x3FB5] =	sst s0;
	s0 =	simm.s32 @!p2 $0x0  }
0x16: {  	s3 =	sld [smem:$0x3FDB];
	s0 =	simm.s32 @p2 $0x1  }
0x17: {  	s4 =	simm.s32 $0x1BF5;
	[smem:$0x3FB7] =	sst s0  }
0x18: {  	s0 =	sld [smem:$0x3F9A];
	_ =	swait.ge [sflag:s4], $0x0  }
0x19: {  	s7 =	sld [smem:$0x3F9B]  }
0x1a: {  	s8 =	sadd.s32 $0xFFFFE003, lr  }
0x1b: {  	s9 =	sadd.s32 $0xFFFFFEF7, lr;
	s5 =	simm.s32 $0xFFFFFFFF;
	p2 =	slt.u32 s8, $0xFFFFF086  }
0x1c: {  	p1 =	slt.u32 s9, $0xF7A;
	s5 =	simm.s32 @!p2 $0x0  }
0x1d: {  	s5 =	simm.s32 @p1 $0x1;
	p0 =	seq.s32 s7, s2  }
0x1e: {  	s7 =	smul.u32 @!p0 $0xF7A, s2;
	p2 =	seq.s32 @!p0 s5, $0x0  }
0x1f: {  	s9 =	smul.u32 $0xF7A, s1;
	s8 =	simm.s32 @!p0 $0x1BF5;
	p2 =	por !p2, p0  }
0x20: {  	[sflag:s8] =	ssyncset.s32 @!p0 $0xFFFFF086;
	s6 =	sadd.s32 @!p0 s3, s7;
	s7 =	simm.s32 @!p0 $0x108  }
0x21: {  	s3 =	sadd.s32 s3, s9;
	s6 =	sadd.s32 @!p0 $0x88, s6;
	s7 =	simm.s32 @p2 $0x1082  }
0x22: {  	[simem:s7], [sflag:s8] =	dma.local @!p0 [hbm:s6], $0xF7A  }
0x23: {  	s9 =	sor.u32 $0xD0000000, s2;
	s6 =	simm.s32 $0x108;
	_ =	swait.ge @!p0 [sflag:s8], $0x0  }
0x24: {  	s3 =	sadd.s32 $0x88, s3;
	s6 =	simm.s32 @!p1 $0x1082;
	[sflag:s4] =	ssyncset.s32 $0xFFFFF086  }
0x25: {  	[simem:s6], [sflag:s4] =	dma.local [hbm:s3], $0xF7A  }
0x26: {  	[smem:$0x3F9B] =	sst s1;
	(tag) =	ssettag s2;
	_ =	strace s9  }
0x27: {  	s1 =	sld [smem:$0x3FAB]  }
0x28: {  	s2 =	sld [smem:$0x3FAC]  }
0x29: {  	s4 =	sld [smem:$0x3FAE]  }
0x2a: {  	p0 =	seq.s32 s5, $0x0;
	s5 =	sld [smem:$0x3FAF]  }
0x2b: {  	s6 =	sld [smem:$0x3FB0]  }
0x2c: {  	s7 =	sld [smem:$0x3FB1]  }
0x2d: {  	s3 =	simm.s32 $0x108;
	s8 =	sld [smem:$0x3FB2]  }
0x2e: {  	s3 =	simm.s32 @!p0 $0x1082;
	s9 =	sld [smem:$0x3FB3]  }
0x2f: {  	lr =	sadd.s32 s0, s3;
	s0 =	sld [smem:$0x3FAA]  }
0x30: {  	s3 =	sld [smem:$0x3FAD]  }
0x31: {  	[smem:$0x3FB6] =	sst s10  }
0x32: {  	s10 =	sld [smem:$0x3FB4];
	_ =	sdelay $0x3  }
0x33: {  	p0 =	seq.s32 s10, $0x1;
	s10 =	sld [smem:$0x3FB6];
	_ =	sdelay $0x3  }
0x34: {  	[smem:$0x3FB6] =	sst s10  }
0x35: {  	s10 =	sld [smem:$0x3FB5];
	_ =	sdelay $0x3  }
0x36: {  	p1 =	seq.s32 s10, $0x1;
	s10 =	sld [smem:$0x3FB6];
	_ =	sdelay $0x3  }
0x37: {  	[smem:$0x3FB6] =	sst s10  }
0x38: {  	s10 =	sld [smem:$0x3FB7]  }
0x39: {  	_ = 	snop;
	(pc) =	sbr.ind lr, $3  }
0x3a: {  	_ = 	snop  }
0x3b: {  	_ = 	snop  }
0x3c: {  	p2 =	seq.s32 s10, $0x1;
	s10 =	sld [smem:$0x3FB6]  }
0x3d: {  	_ =	shalt  }
0x3e: {  	_ =	shalt  }
0x3f: {  	_ =	shalt  }
0x40: {  	_ =	shalt  }
0x41: {  	_ =	shalt  }
0x42: {  	_ =	shalt  }
0x43: {  	_ =	shalt  }
0x44: {  	_ =	shalt  }
0x45: {  	_ =	shalt  }
0x46: {  	_ =	shalt  }
0x47: {  	_ =	shalt  }
0x48: {  	_ =	shalt  }
0x49: {  	_ =	shalt  }
0x4a: {  	_ =	shalt  }
0x4b: {  	_ =	shalt  }
0x4c: {  	_ =	shalt  }
0x4d: {  	_ =	shalt  }
0x4e: {  	_ =	shalt  }
0x4f: {  	_ =	shalt  }
0x50: {  	_ =	shalt  }
0x51: {  	_ =	shalt  }
0x52: {  	_ =	shalt  }
0x53: {  	_ =	shalt  }
0x54: {  	_ =	shalt  }
0x55: {  	_ =	shalt  }
0x56: {  	_ =	shalt  }
0x57: {  	_ =	shalt  }
0x58: {  	_ =	shalt  }
0x59: {  	_ =	shalt  }
0x5a: {  	_ =	shalt  }
0x5b: {  	_ =	shalt  }
0x5c: {  	_ =	shalt  }
0x5d: {  	_ =	shalt  }
0x5e: {  	_ =	shalt  }
0x5f: {  	_ =	shalt  }
0x60: {  	_ =	shalt  }
0x61: {  	_ =	shalt  }
0x62: {  	_ =	shalt  }
0x63: {  	_ =	shalt  }
0x64: {  	_ =	shalt  }
0x65: {  	_ =	shalt  }
0x66: {  	_ =	shalt  }
0x67: {  	_ =	shalt  }
0x68: {  	_ =	shalt  }
0x69: {  	_ =	shalt  }
0x6a: {  	_ =	shalt  }
0x6b: {  	_ =	shalt  }
0x6c: {  	_ =	shalt  }
0x6d: {  	_ =	shalt  }
0x6e: {  	_ =	shalt  }
0x6f: {  	_ =	shalt  }
0x70: {  	_ =	shalt  }
0x71: {  	_ =	shalt  }
0x72: {  	_ =	shalt  }
0x73: {  	_ =	shalt  }
0x74: {  	_ =	shalt  }
0x75: {  	_ =	shalt  }
0x76: {  	_ =	shalt  }
0x77: {  	_ =	shalt  }
0x78: {  	_ =	shalt  }
0x79: {  	_ =	shalt  }
0x7a: {  	_ =	shalt  }
0x7b: {  	_ =	shalt  }
0x7c: {  	_ =	shalt  }
0x7d: {  	_ =	shalt  }
0x7e: {  	_ =	shalt  }
0x7f: {  	_ =	shalt  }
0x80: {  	_ =	shalt  }
0x81: {  	_ =	shalt  }
0x82: {  	_ =	shalt  }
0x83: {  	_ =	shalt  }
0x84: {  	_ =	shalt  }
0x85: {  	_ =	shalt  }
0x86: {  	_ =	shalt  }
0x87: {  	_ =	shalt  }
.Lfunc_end0:
.L_simem_size_0:
called_computation.1_lowered:
.L_overlay_start_0:
0x88: {  	s2 =	sld [smem:$0x3FD9]  }
0x89: {  	s3 =	sld [smem:$0x3FFE];
	_ =	sdelay $0x1  }
0x8a: {  	s1 =	srdreg.scid  }
0x8b: {  	s0 =	sand.u32 $0x1, s1  }
0x8c: {  	s17 =	sshll.u32 s0, $0xA;
	s2 =	sadd.s32 s3, s2  }
0x8d: {  	s2 =	sadd.s32 s2, s17  }
0x8e: {  	[smem:$0x3FC2] =	sst s2  }
0x8f: {  	_ = 	snop  }
0x90: {  	s18 =	sld [smem:$0x3FC8];
	(tm) =	ssettm $0x1  }
0x91: {  	s19 =	sld [smem:$0x3FFB];
	_ =	sdelay $0x3  }
0x92: {  	_ =	strace s19  }
0x93: {  	s2 =	sld [smem:$0x3FFC];
	_ =	sdelay $0x3  }
0x94: {  	_ =	strace s2  }
0x95: {  	s2 =	sld [smem:$0x3FFD];
	_ =	sdelay $0x3  }
0x96: {  	_ =	strace s2  }
0x97: {  	_ =	strace $0x8FFFFFFF  }
0x98: {  	s20 =	sld [smem:$0x3FDB];
	_ =	sdelay $0x1  }
0x99: {  	s4 =	simm.s32 $_scs_section_size  }
0x9a: {  	s5 =	simm.s32 $_size__tile_overlayer_lowered;
	s6 =	simm.s32 $_tile_overlayer_lowered  }
0x9b: {  	s7 =	simm.s32 $0x1BFF;
	s21 =	sshll.u32 s6, $0x1;
	s4 =	sadd.s32 s4, s20  }
0x9c: {  	s22 =	simm.s32 $0x0;
	s5 =	sshll.u32 s5, $0x1;
	s6 =	sadd.s32 s21, s4  }
0x9d: {  	[timem:s22], [sflag:s7] =	dma.local [hbm:s6], s5  }
0x9e: {  	_ =	swait.ge [sflag:s7], s5  }
0x9f: {  	s5 =	ssub.s32 $0x0, s5;
	[sflag:s7] =	ssyncset.done $0x0  }
0xa0: {  	[sflag:s7] =	ssyncadd.s32 s5;
	_ =	sdelay $0x1  }
0xa1: {  	s23 =	simm.s32 $0x1B8B  }
0xa2: {  	_ =	swait.ge [sflag:s23], $0x1  }
0xa3: {  	[sflag:s23] =	ssyncset.done $0x0  }
0xa4: {  	[sflag:s23] =	ssyncadd.s32 $0xFFFFFFFF  }
0xa5: {  	s5 =	sld [smem:$0x0]  }
0xa6: {  	s6 =	sand.u32 $0xFFFFFFFE, s1  }
0xa7: {  	p0 =	sne.s32 s1, s6  }
0xa8: {  	s6 =	sshll.u32 @p0 s6, $0xE  }
0xa9: {  	s6 =	sadd.s32 @p0 $0x11B8D, s6;
	s7 =	sshll.u32 @p0 s5, $0x11  }
0xaa: {  	s6 =	sor.u32 @p0 s7, s6  }
0xab: {  	[sflag:s6] =	ssyncadd.remote.s32 @p0 $0x1;
	_ =	sdelay $0x1  }
0xac: {  	s6 =	simm.s32 @p0 $0x1B8D  }
0xad: {  	_ =	swait.eq @p0 [sflag:s6], $0x1  }
0xae: {  	[sflag:s6] =	ssyncadd.s32 @p0 $0xFFFFFFFF  }
0xaf: {  	s7 =	sshll.u32 @!p0 s1, $0xE  }
0xb0: {  	s7 =	sor.u32 @!p0 $0x4000, s7;
	s6 =	simm.s32 @!p0 $0x1B8D  }
0xb1: {  	s5 =	sshll.u32 @!p0 s5, $0x11;
	s7 =	sadd.s32 @!p0 $0x11B8D, s7;
	_ =	swait.eq @!p0 [sflag:s6], $0x1  }
0xb2: {  	s5 =	sor.u32 @!p0 s5, s7;
	[sflag:s6] =	ssyncadd.s32 @!p0 $0xFFFFFFFF  }
0xb3: {  	s25 =	simm.s32 $0x1B8E;
	s24 =	sld [smem:$0x3FFE];
	[sflag:s5] =	ssyncadd.remote.s32 @!p0 $0x1  }
0xb4: {  	s26 =	simm.s32 $execute0_lowered;
	[smem:$0x3FD2] =	sst s25  }
0xb5: {  	s6 =	sshll.u32 s26, $0x1;
	_ =	strace $0x80000049;
	[dreg:$0x1] =	wrdreg $0xFFFFFFFF  }
0xb6: {  	s28 =	simm.s32 $_size_execute0_lowered;
	s4 =	sadd.s32 s4, s6;
	[dreg:$0x0] =	wrdreg $0x0  }
0xb7: {  	s6 =	sshll.u32 s28, $0x1;
	[dreg:$0x2] =	wrdreg s4  }
0xb8: {  	[dreg:$0x3] =	wrdreg s6  }
0xb9: {  	[dreg:$0x4] =	wrdreg $0xC0  }
0xba: {  	_ =	task [dreg:s22], $0x5FFFF  }
0xbb: {  	[dreg:$0x1] =	wrdreg $0xFFFFFFFF  }
0xbc: {  	[dreg:$0x0] =	wrdreg $0x60  }
0xbd: {  	[dreg:$0x2] =	wrdreg s18  }
0xbe: {  	[dreg:$0x3] =	wrdreg s24  }
0xbf: {  	[dreg:$0x4] =	wrdreg $0xA  }
0xc0: {  	_ =	task.clear_ibuf [dreg:s22], $0x5FFFF;
	_ =	strace $0x90000049  }
0xc1: {  	s29 =	simm.s32 $0xA;
	_ =	strace $0x8000004B  }
0xc2: {  	_ =	swait.ge [sflag:s29], $0x1  }
0xc3: {  	[sflag:s29] =	ssyncadd.s32 $0xFFFFFFFF  }
0xc4: {  	_ =	strace $0x9000004B  }
0xc5: {  	_ =	sfence  }
0xc6: {  	s30 =	sld [smem:$0x0];
	_ =	sdelay $0x2  }
0xc7: {  	s31 =	sshll.u32 s1, $0xD;
	s1 =	sshrl.u32 s1, $0x2  }
0xc8: {  	s4 =	sand.u32 $0x4000, s31;
	s1 =	sadd.s32 s1, s30  }
0xc9: {  	s0 =	sor.u32 s4, s0;
	s1 =	sshll.u32 s1, $0x11  }
0xca: {  	s0 =	sor.u32 s1, s0  }
0xcb: {  	s0 =	sadd.s32 $0x8F2B, s0  }
0xcc: {  	[sflag:s0] =	ssyncadd.remote.s32 $0x1  }
0xcd: {  	_ =	sfence.sel $0xFFFF  }
0xce: {  	[dreg:$0x0] =	wrdreg $0xFFFFFFFF;
	(pc) =	sbr.abs _section_cstart, $3  }
0xcf: {  	[dreg:$0x1] =	wrdreg $0xFFFFFFFF  }
0xd0: {  	_ =	task.clear_ibuf [dreg:s22], $0x2FFFF;
	_ =	strace $0x9FFFFFFF  }
0xd1: {  	(tm) =	ssettm $0x7FFFFFFF  }
tec
execute0_lowered:
.L_overlay_start_1:
0x0: {  	(tag) =	ssettag $0x1  }
0x1: {  	s1 =	srdreg.scid  }
0x2: {  	s3 =	rddreg [dreg:$0x0];
	s0 =	stileid.u32;
	s11 =	sand.u32 $0x1, s1  }
0x3: {  	s12 =	rddreg [dreg:$0x1];
	s4 =	sshll.u32 s0, $0xA;
	s5 =	sshll.u32 s11, $0x9  }
0x4: {  	s2 =	simm.s32 $0x0;
	s1 =	rddreg [dreg:$0x2];
	s13 =	sor.u32 s5, s4  }
0x5: {  	[smem:$0x7FF] =	sst s2;
	s14 =	sshrl.u32 s13, $0x3  }
0x6: {  	_ =	strace $0x8000004A;
	s4 =	sadd.s32 s3, s14;
	s3 =	simm.s32 $0x3  }
0x7: {  	[tilespmem:s2], [sflag:$0x3] =	stream.linear.gather [hbm4b:s4+s2], $0x200, $0x38;
	[tilespmem:$0x8400] =	vst v63  }
0x8: {  	_ =	swait.ge [sflag:s3], $0x200  }
0x9: {  	[sflag:s3] =	ssyncset.done $0x0  }
0xa: {  	s6 =	simm.s32 $0x200;
	s5 =	sadd.s32 $0x1C6C00, s12;
	[sflag:s3] =	ssyncadd.s32 $0xFFFFFE00  }
0xb: {  	[tilespmem:s6], [sflag:$0x1] =	stream.indirect.gather [hbm4b:s5+s6], $0x40, s2, s6, $0xb8;
	[tilespmem:$0x8400] =	vst v63  }
0xc: {  	s8 =	simm.s32 $0x8200;
	s9 =	simm.s32 $0x1;
	s7 =	sadd.s32 $0x40200, s12  }
0xd: {  	[tilespmem:s8], [sflag:$0x2] =	stream.indirect.gather [hbm4b:s7+s6], $0x1, s2, s6, $0xb8;
	[tilespmem:$0x8400] =	vst v63  }
0xe: {  	_ =	swait.ge [sflag:s9], $0x8000  }
0xf: {  	s10 =	simm.s32 $0x2;
	[sflag:s9] =	ssyncset.done $0x0  }
0x10: {  	s15 =	ssub.s32 $0x2, s11;
	s13 =	sshll.u32 s13, $0x3;
	[sflag:s9] =	ssyncadd.s32 $0xFFFF8000  }
0x11: {  	s31 =	sshrl.u32 s15, $0x1;
	s13 =	sadd.s32 s13, s12;
	_ =	swait.ge [sflag:s10], $0x200  }
0x12: {  	s11 =	sadd.s32 $0x43400, s13;
	s13 =	ssub.s32 s15, s31;
	[sflag:s10] =	ssyncset.done $0x0  }
0x13: {  	s13 =	smax.u32 s13, $0x1;
	[sflag:s10] =	ssyncadd.s32 $0xFFFFFE00  }
0x14: {  	[hbm4b:s11+s2] =	stream.linear.scatter [tilespmem:s6], [sflag:$0x3], $0x8000, $0x38;
	[tilespmem:$0x8400] =	vst v63  }
0x15: {  	p0 =	sne.s32 s13, $0x1;
	_ =	swait.ge [sflag:s3], $0x8000  }
.Ltmp0:
0x16: {  	s12 =	sadd.s32 s14, s12;
	[sflag:s3] =	ssyncset.done $0x0;
	(pc) =	sbr.rel @!p0 .LBB2_2-.Ltmp0, $4  }
0x17: {  	s12 =	sadd.s32 $0x63400, s12;
	[sflag:s3] =	ssyncadd.s32 $0xFFFF8000  }
0x18: {  	[hbm4b:s12+s2] =	stream.linear.scatter [tilespmem:s8], [sflag:$0x3], $0x200, $0x38;
	[tilespmem:$0x8400] =	vst v63  }
0x19: {  	_ =	swait.ge [sflag:s3], $0x200  }
0x1a: {  	s13 =	sadd.s32 $0xFFFFFFFF, s13;
	[sflag:s3] =	ssyncset.done $0x0  }
.LBB2_1:
0x1b: {  	p0 =	sne.s32 s13, $0x1;
	s13 =	sadd.s32 $0xFFFFFFFF, s13;
	[sflag:s3] =	ssyncadd.s32 $0xFFFFFE00  }
0x1c: {  	[tilespmem:s2], [sflag:$0x3] =	stream.linear.gather [hbm4b:s4+s2], $0x200, $0x38;
	[tilespmem:$0x8400] =	vst v63  }
0x1d: {  	_ =	swait.ge [sflag:s3], $0x200  }
0x1e: {  	[sflag:s3] =	ssyncset.done $0x0  }
0x1f: {  	[sflag:s3] =	ssyncadd.s32 $0xFFFFFE00  }
0x20: {  	[tilespmem:s6], [sflag:$0x1] =	stream.indirect.gather [hbm4b:s5+s6], $0x40, s2, s6, $0xb8;
	[tilespmem:$0x8400] =	vst v63  }
0x21: {  	_ = 	snop  }
0x22: {  	[tilespmem:s8], [sflag:$0x2] =	stream.indirect.gather [hbm4b:s7+s6], $0x1, s2, s6, $0xb8;
	[tilespmem:$0x8400] =	vst v63  }
0x23: {  	_ =	swait.ge [sflag:s9], $0x8000  }
0x24: {  	[sflag:s9] =	ssyncset.done $0x0  }
0x25: {  	[sflag:s9] =	ssyncadd.s32 $0xFFFF8000  }
0x26: {  	_ =	swait.ge [sflag:s10], $0x200  }
0x27: {  	[sflag:s10] =	ssyncset.done $0x0  }
0x28: {  	[sflag:s10] =	ssyncadd.s32 $0xFFFFFE00  }
0x29: {  	[hbm4b:s11+s2] =	stream.linear.scatter [tilespmem:s6], [sflag:$0x3], $0x8000, $0x38;
	[tilespmem:$0x8400] =	vst v63  }
0x2a: {  	_ =	swait.ge [sflag:s3], $0x8000  }
.Ltmp1:
0x2b: {  	[sflag:s3] =	ssyncset.done $0x0;
	(pc) =	sbr.rel @p0 .LBB2_1-.Ltmp1, $4  }
0x2c: {  	[sflag:s3] =	ssyncadd.s32 $0xFFFF8000  }
0x2d: {  	[hbm4b:s12+s2] =	stream.linear.scatter [tilespmem:s8], [sflag:$0x3], $0x200, $0x38;
	[tilespmem:$0x8400] =	vst v63  }
0x2e: {  	_ =	swait.ge [sflag:s3], $0x200  }
0x2f: {  	[sflag:s3] =	ssyncset.done $0x0  }
.LBB2_2:
0x30: {  	[sflag:s3] =	ssyncadd.s32 $0xFFFFFE00  }
0x31: {  	_ =	sfence.sel $0x180000  }
0x32: {  	[bflag:$0x0] =	sbarrier.arrive $0xFFFF  }
0x33: {  	p0 =	sne.s32 s0, $0x0;
	_ =	strace $0x9000004A  }
0x34: {  	s0 =	sadd.s32 @!p0 $0x100000, s1;
	[bflag:$0x2] =	sbarrier.arrive $0xFFFF  }
0x35: {  	[sflag:s0] =	ssyncadd.tile.s32 @!p0 $0x1;
	_ =	shalt  }
.Lfunc_end2:
_tile_overlayer_lowered:
.L_overlay_start_2:
0x36: {  	(tag) =	ssettag $0x2  }
0x37: {  	s0 =	rddreg [dreg:$0x0];
	s2 =	stileid.u32  }
0x38: {  	s1 =	rddreg [dreg:$0x1];
	p0 =	sne.s32 s2, $0x0  }
0x39: {  	s3 =	rddreg [dreg:$0x2];
	[bflag:$0x3] =	sbarrier.arrive $0xFFFF;
	s2 =	simm.s32 @!p0 $0x1C03  }
0x3a: {  	[timem:s3], [sflag:s2] =	dma.local @!p0 [hbm:s0], s1  }
0x3b: {  	s0 =	simm.s32 @!p0 $0x3  }
0x3c: {  	_ =	swait.ge @!p0 [sflag:s0], s1  }
0x3d: {  	s1 =	ssub.s32 @!p0 $0x0, s1;
	[sflag:s0] =	ssyncset.done @!p0 $0x0  }
0x3e: {  	[sflag:s0] =	ssyncadd.s32 @!p0 s1  }
0x3f: {  	[bflag:$0x3] =	sbarrier.arrive $0xFFFF  }
0x40: {  	_ =	shalt  }

</sc_bundles>
